<compile_context>
chip_gen: v7x
topology: tpu7x:2x2x1
jax: 0.10.2.dev20260603
libtpu: 0.0.44.dev20260713+nightly
codegen_flags: <defaults>
</compile_context>

<pallas_src>
import functools

import jax
import jax.numpy as jnp
from jax import lax
from jax.experimental import pallas as pl
from jax.experimental.pallas import tpu as pltpu
from jax.experimental.pallas import tpu_sc as plsc

_LANES = 16


@functools.lru_cache(maxsize=None)
def _build(num_ent2, num_rel2, dim, batch):
    info = plsc.get_sparse_core_info()
    nc, ns = info.num_cores, info.num_subcores
    nw = nc * ns
    assert batch % (8 * nw) == 0 and dim % _LANES == 0
    bpw = batch // nw
    cs = min(bpw, 128)
    nchunks = bpw // cs
    nvec = dim // _LANES

    mesh = plsc.VectorSubcoreMesh(core_axis_name="c", subcore_axis_name="s")

    @functools.partial(
        pl.kernel,
        mesh=mesh,
        out_type=jax.ShapeDtypeStruct((batch, dim), jnp.float32),
        compiler_params=pltpu.CompilerParams(needs_layout_passes=False),
        scratch_types=[
            pltpu.VMEM((bpw,), jnp.int32),
            pltpu.VMEM((bpw,), jnp.int32),
            pltpu.VMEM((bpw,), jnp.int32),
            pltpu.VMEM((bpw,), jnp.int32),
            pltpu.VMEM((bpw,), jnp.int32),
            pltpu.VMEM((bpw,), jnp.int32),
            pltpu.VMEM((cs, 2 * dim), jnp.float32),
            pltpu.VMEM((cs, 2 * dim), jnp.float32),
            pltpu.VMEM((cs, 2 * dim), jnp.float32),
            pltpu.VMEM((cs, dim), jnp.float32),
            pltpu.SemaphoreType.DMA,
            pltpu.SemaphoreType.DMA,
            pltpu.SemaphoreType.DMA,
        ],
    )
    def k(ent_hbm, rel_hbm, h_hbm, t_hbm, r_hbm, out_hbm,
          hrow, trow, rrow, hoff, toff, roff,
          hbuf, tbuf, rbuf, obuf, sem_h, sem_t, sem_r):
        wid = lax.axis_index("s") * nc + lax.axis_index("c")
        base = wid * bpw
        pltpu.sync_copy(h_hbm.at[pl.ds(base, bpw)], hrow)
        pltpu.sync_copy(t_hbm.at[pl.ds(base, bpw)], trow)
        pltpu.sync_copy(r_hbm.at[pl.ds(base, bpw)], rrow)

        def prep(j, carry):
            sl = pl.ds(j * _LANES, _LANES)
            for idx_ref, off_ref in ((hrow, hoff), (trow, toff), (rrow, roff)):
                v = idx_ref[sl]
                off_ref[sl] = (v & 1) * dim
                idx_ref[sl] = lax.shift_right_logical(v, 1)
            return carry

        lax.fori_loop(0, bpw // _LANES, prep, 0)

        lanes = lax.iota(jnp.int32, _LANES)
        for g in range(nchunks):
            gsl = pl.ds(g * cs, cs)
            ch = pltpu.async_copy(ent_hbm.at[hrow.at[gsl]], hbuf, sem_h)
            ct = pltpu.async_copy(ent_hbm.at[trow.at[gsl]], tbuf, sem_t)
            cr = pltpu.async_copy(rel_hbm.at[rrow.at[gsl]], rbuf, sem_r)
            ch.wait()
            ct.wait()
            cr.wait()

            def combine(i, carry):
                isplat = lax.broadcast(i, (_LANES,))
                gi = lax.broadcast(g * cs + i, (_LANES,))
                oh = plsc.load_gather(hoff, [gi])
                ot = plsc.load_gather(toff, [gi])
                orr = plsc.load_gather(roff, [gi])
                for c in range(nvec):
                    col = lanes + (c * _LANES)
                    hv = plsc.load_gather(hbuf, [isplat, oh + col])
                    tv = plsc.load_gather(tbuf, [isplat, ot + col])
                    rv = plsc.load_gather(rbuf, [isplat, orr + col])
                    obuf[i, pl.ds(c * _LANES, _LANES)] = hv + rv - tv
                return carry

            lax.fori_loop(0, cs, combine, 0)
            pltpu.sync_copy(obuf, out_hbm.at[pl.ds(base + g * cs, cs)])

    return k


def kernel(ent_table, rel_table, h_list, t_list, r_list):
    num_ent, dim = ent_table.shape
    num_rel = rel_table.shape[0]
    batch = h_list.shape[0]
    assert num_ent % 2 == 0 and num_rel % 2 == 0
    ent2 = ent_table.reshape(num_ent // 2, 2 * dim)
    rel2 = rel_table.reshape(num_rel // 2, 2 * dim)
    k = _build(num_ent // 2, num_rel // 2, dim, batch)
    return k(ent2, rel2,
             h_list.astype(jnp.int32), t_list.astype(jnp.int32),
             r_list.astype(jnp.int32))

# --- scband reference (transcript-rebuilt; emitter-appended) ---
"""Pipeline reference for scband-trans-e-7069516169311 (READ-ONLY COPY).

The authoritative reference and input builder live on the scoring server;
editing this copy changes nothing except your own understanding.
"""

import jax, jax.numpy as jnp
import numpy as np

NUM_ENT = 1000000
NUM_REL = 1000
DIM = 64
BATCH = 16384

def setup_inputs(seed: int = 0) -> dict:
    key = jax.random.key(seed)
    k_ent, k_rel, k_h, k_t, k_r = jax.random.split(key, 5)
    ent_table = jax.random.normal(k_ent, (NUM_ENT, DIM), dtype=jnp.float32) * (1.0 / np.sqrt(NUM_ENT))
    # xavier_uniform for rel table: bound = sqrt(6/(fan_in+fan_out))
    bound = float(np.sqrt(6.0 / (NUM_REL + DIM)))
    rel_table = jax.random.uniform(k_rel, (NUM_REL, DIM), dtype=jnp.float32, minval=-bound, maxval=bound)
    h_list = jax.random.randint(k_h, (BATCH,), 0, NUM_ENT, dtype=jnp.int64 if jax.config.jax_enable_x64 else jnp.int32)
    t_list = jax.random.randint(k_t, (BATCH,), 0, NUM_ENT, dtype=jnp.int64 if jax.config.jax_enable_x64 else jnp.int32)
    r_list = jax.random.randint(k_r, (BATCH,), 0, NUM_REL, dtype=jnp.int64 if jax.config.jax_enable_x64 else jnp.int32)
    return {"ent_table": ent_table, "rel_table": rel_table, "h_list": h_list, "t_list": t_list, "r_list": r_list}

def reference(ent_table, rel_table, h_list, t_list, r_list):
    # TransE.forward: h = ent_emb(h_list); t = ent_emb(t_list); r = rel_emb(r_list); return h + r - t
    h = jnp.take(ent_table, h_list, axis=0)
    t = jnp.take(ent_table, t_list, axis=0)
    r = jnp.take(rel_table, r_list, axis=0)
    return h + r - t

if __name__ == "__main__":
    import jax
    _d = setup_inputs()
    print(jax.jit(kernel)(*tuple(_d.values())))

</pallas_src>

<mosaic_0001>
#map = affine_map<(d0, d1) -> (0, 0)>
#map1 = affine_map<(d0, d1) -> (0)>
module attributes {stable_mosaic.version = 14 : i64} {
  func.func @k(%arg0: i32, %arg1: i32, %arg2: memref<500000x128xf32, #tpu.memory_space<hbm>>, %arg3: memref<500x128xf32, #tpu.memory_space<hbm>>, %arg4: memref<16384xi32, #tpu.memory_space<hbm>>, %arg5: memref<16384xi32, #tpu.memory_space<hbm>>, %arg6: memref<16384xi32, #tpu.memory_space<hbm>>, %arg7: memref<16384x64xf32, #tpu.memory_space<hbm>>, %arg8: memref<512xi32, #tpu.memory_space<vmem>>, %arg9: memref<512xi32, #tpu.memory_space<vmem>>, %arg10: memref<512xi32, #tpu.memory_space<vmem>>, %arg11: memref<512xi32, #tpu.memory_space<vmem>>, %arg12: memref<512xi32, #tpu.memory_space<vmem>>, %arg13: memref<512xi32, #tpu.memory_space<vmem>>, %arg14: memref<128x128xf32, #tpu.memory_space<vmem>>, %arg15: memref<128x128xf32, #tpu.memory_space<vmem>>, %arg16: memref<128x128xf32, #tpu.memory_space<vmem>>, %arg17: memref<128x64xf32, #tpu.memory_space<vmem>>, %arg18: memref<!tpu.dma_semaphore, #tpu.memory_space<semaphore_mem>>, %arg19: memref<!tpu.dma_semaphore, #tpu.memory_space<semaphore_mem>>, %arg20: memref<!tpu.dma_semaphore, #tpu.memory_space<semaphore_mem>>) attributes {dimension_semantics = [#tpu.dimension_semantics<core_parallel>, #tpu.dimension_semantics<subcore_parallel>], iteration_bounds = array<i64: 2, 16>, scalar_prefetch = 0 : i64, scratch_operands = 13 : i64, tpu.core_type = #tpu.core_type<sc_vector_subcore>, window_params = [{transform_indices = #map}, {transform_indices = #map}, {transform_indices = #map1}, {transform_indices = #map1}, {transform_indices = #map1}, {transform_indices = #map}]} {
    %mul3A = arith.constant 2 : i32
    %mul3A_0 = arith.muli %arg1, %mul3A : i32
    %add3A = arith.addi %mul3A_0, %arg0 : i32
    %mul3A_1 = arith.constant 512 : i32
    %mul3A_2 = arith.muli %add3A, %mul3A_1 : i32
    "tpu.region"() ({
      %run_scoped3A = tpu.sem_alloc : memref<!tpu.dma_semaphore, #tpu.memory_space<semaphore_mem>>
      %dma_start3A_158 = tpu.memref_slice %arg4[%mul3A_2] : memref<16384xi32, #tpu.memory_space<hbm>> -> memref<512xi32, #tpu.memory_space<hbm>>
      %dma_start3A_159 = tpu.memref_slice %arg4[%mul3A_2] : memref<16384xi32, #tpu.memory_space<hbm>> -> memref<512xi32, #tpu.memory_space<hbm>>
      tpu.enqueue_dma source(%dma_start3A_159 : memref<512xi32, #tpu.memory_space<hbm>>) target(%arg8 : memref<512xi32, #tpu.memory_space<vmem>>) target_semaphore(%run_scoped3A : memref<!tpu.dma_semaphore, #tpu.memory_space<semaphore_mem>>)
      %dma_wait3A_160 = tpu.memref_slice %arg4[%mul3A_2] : memref<16384xi32, #tpu.memory_space<hbm>> -> memref<512xi32, #tpu.memory_space<hbm>>
      %dma_wait3A_161 = tpu.memref_slice %arg4[%mul3A_2] : memref<16384xi32, #tpu.memory_space<hbm>> -> memref<512xi32, #tpu.memory_space<hbm>>
      tpu.wait_dma2 semaphore(%run_scoped3A : memref<!tpu.dma_semaphore, #tpu.memory_space<semaphore_mem>>) src(%dma_wait3A_161 : memref<512xi32, #tpu.memory_space<hbm>>) dst(%arg8 : memref<512xi32, #tpu.memory_space<vmem>>)
      tpu.yield
    }) : () -> ()
    "tpu.region"() ({
      %run_scoped3A = tpu.sem_alloc : memref<!tpu.dma_semaphore, #tpu.memory_space<semaphore_mem>>
      %dma_start3A_158 = tpu.memref_slice %arg5[%mul3A_2] : memref<16384xi32, #tpu.memory_space<hbm>> -> memref<512xi32, #tpu.memory_space<hbm>>
      %dma_start3A_159 = tpu.memref_slice %arg5[%mul3A_2] : memref<16384xi32, #tpu.memory_space<hbm>> -> memref<512xi32, #tpu.memory_space<hbm>>
      tpu.enqueue_dma source(%dma_start3A_159 : memref<512xi32, #tpu.memory_space<hbm>>) target(%arg9 : memref<512xi32, #tpu.memory_space<vmem>>) target_semaphore(%run_scoped3A : memref<!tpu.dma_semaphore, #tpu.memory_space<semaphore_mem>>)
      %dma_wait3A_160 = tpu.memref_slice %arg5[%mul3A_2] : memref<16384xi32, #tpu.memory_space<hbm>> -> memref<512xi32, #tpu.memory_space<hbm>>
      %dma_wait3A_161 = tpu.memref_slice %arg5[%mul3A_2] : memref<16384xi32, #tpu.memory_space<hbm>> -> memref<512xi32, #tpu.memory_space<hbm>>
      tpu.wait_dma2 semaphore(%run_scoped3A : memref<!tpu.dma_semaphore, #tpu.memory_space<semaphore_mem>>) src(%dma_wait3A_161 : memref<512xi32, #tpu.memory_space<hbm>>) dst(%arg9 : memref<512xi32, #tpu.memory_space<vmem>>)
      tpu.yield
    }) : () -> ()
    "tpu.region"() ({
      %run_scoped3A = tpu.sem_alloc : memref<!tpu.dma_semaphore, #tpu.memory_space<semaphore_mem>>
      %dma_start3A_158 = tpu.memref_slice %arg6[%mul3A_2] : memref<16384xi32, #tpu.memory_space<hbm>> -> memref<512xi32, #tpu.memory_space<hbm>>
      %dma_start3A_159 = tpu.memref_slice %arg6[%mul3A_2] : memref<16384xi32, #tpu.memory_space<hbm>> -> memref<512xi32, #tpu.memory_space<hbm>>
      tpu.enqueue_dma source(%dma_start3A_159 : memref<512xi32, #tpu.memory_space<hbm>>) target(%arg10 : memref<512xi32, #tpu.memory_space<vmem>>) target_semaphore(%run_scoped3A : memref<!tpu.dma_semaphore, #tpu.memory_space<semaphore_mem>>)
      %dma_wait3A_160 = tpu.memref_slice %arg6[%mul3A_2] : memref<16384xi32, #tpu.memory_space<hbm>> -> memref<512xi32, #tpu.memory_space<hbm>>
      %dma_wait3A_161 = tpu.memref_slice %arg6[%mul3A_2] : memref<16384xi32, #tpu.memory_space<hbm>> -> memref<512xi32, #tpu.memory_space<hbm>>
      tpu.wait_dma2 semaphore(%run_scoped3A : memref<!tpu.dma_semaphore, #tpu.memory_space<semaphore_mem>>) src(%dma_wait3A_161 : memref<512xi32, #tpu.memory_space<hbm>>) dst(%arg10 : memref<512xi32, #tpu.memory_space<vmem>>)
      tpu.yield
    }) : () -> ()
    %scan3A = arith.constant 0 : i32
    %scan3A_3 = arith.constant 0 : i32
    %scan3A_4 = arith.constant 32 : i32
    %scan3A_5 = arith.addi %scan3A_3, %scan3A_4 : i32
    %scan3A_6 = arith.constant 1 : i32
    scf.for %scan3A_158 = %scan3A_3 to %scan3A_5 step %scan3A_6  : i32 {
      %mul3A_159 = arith.constant 16 : i32
      %mul3A_160 = arith.muli %scan3A_158, %mul3A_159 : i32
      %get3A = arith.index_cast %mul3A_160 : i32 to index
      %get3A_161 = tpu.vector_load %arg8[%get3A] {strides = array<i32>} : memref<512xi32, #tpu.memory_space<vmem>>, vector<16xi32>,
      %and3A = arith.constant 1 : i32
      %and3A_162 = vector.broadcast %and3A : i32 to vector<16xi32>
      %and3A_163 = arith.andi %get3A_161, %and3A_162 : vector<16xi32>
      %mul3A_164 = arith.constant 64 : i32
      %mul3A_165 = vector.broadcast %mul3A_164 : i32 to vector<16xi32>
      %mul3A_166 = arith.muli %and3A_163, %mul3A_165 : vector<16xi32>
      %swap3A = arith.index_cast %mul3A_160 : i32 to index
      %swap3A_167 = tpu.vector_load %arg11[%swap3A] {strides = array<i32>} : memref<512xi32, #tpu.memory_space<vmem>>, vector<16xi32>,
      tpu.vector_store %arg11[%swap3A], %mul3A_166 {strides = array<i32>} : memref<512xi32, #tpu.memory_space<vmem>>, vector<16xi32>,
      %shift_right_logical3A = arith.constant 1 : i32
      %shift_right_logical3A_168 = vector.broadcast %shift_right_logical3A : i32 to vector<16xi32>
      %shift_right_logical3A_169 = arith.shrui %get3A_161, %shift_right_logical3A_168 : vector<16xi32>
      %swap3A_170 = arith.index_cast %mul3A_160 : i32 to index
      %swap3A_171 = tpu.vector_load %arg8[%swap3A_170] {strides = array<i32>} : memref<512xi32, #tpu.memory_space<vmem>>, vector<16xi32>,
      tpu.vector_store %arg8[%swap3A_170], %shift_right_logical3A_169 {strides = array<i32>} : memref<512xi32, #tpu.memory_space<vmem>>, vector<16xi32>,
      %get3A_172 = arith.index_cast %mul3A_160 : i32 to index
      %get3A_173 = tpu.vector_load %arg9[%get3A_172] {strides = array<i32>} : memref<512xi32, #tpu.memory_space<vmem>>, vector<16xi32>,
      %and3A_174 = arith.constant 1 : i32
      %and3A_175 = vector.broadcast %and3A_174 : i32 to vector<16xi32>
      %and3A_176 = arith.andi %get3A_173, %and3A_175 : vector<16xi32>
      %mul3A_177 = arith.constant 64 : i32
      %mul3A_178 = vector.broadcast %mul3A_177 : i32 to vector<16xi32>
      %mul3A_179 = arith.muli %and3A_176, %mul3A_178 : vector<16xi32>
      %swap3A_180 = arith.index_cast %mul3A_160 : i32 to index
      %swap3A_181 = tpu.vector_load %arg12[%swap3A_180] {strides = array<i32>} : memref<512xi32, #tpu.memory_space<vmem>>, vector<16xi32>,
      tpu.vector_store %arg12[%swap3A_180], %mul3A_179 {strides = array<i32>} : memref<512xi32, #tpu.memory_space<vmem>>, vector<16xi32>,
      %shift_right_logical3A_182 = arith.constant 1 : i32
      %shift_right_logical3A_183 = vector.broadcast %shift_right_logical3A_182 : i32 to vector<16xi32>
      %shift_right_logical3A_184 = arith.shrui %get3A_173, %shift_right_logical3A_183 : vector<16xi32>
      %swap3A_185 = arith.index_cast %mul3A_160 : i32 to index
      %swap3A_186 = tpu.vector_load %arg9[%swap3A_185] {strides = array<i32>} : memref<512xi32, #tpu.memory_space<vmem>>, vector<16xi32>,
      tpu.vector_store %arg9[%swap3A_185], %shift_right_logical3A_184 {strides = array<i32>} : memref<512xi32, #tpu.memory_space<vmem>>, vector<16xi32>,
      %get3A_187 = arith.index_cast %mul3A_160 : i32 to index
      %get3A_188 = tpu.vector_load %arg10[%get3A_187] {strides = array<i32>} : memref<512xi32, #tpu.memory_space<vmem>>, vector<16xi32>,
      %and3A_189 = arith.constant 1 : i32
      %and3A_190 = vector.broadcast %and3A_189 : i32 to vector<16xi32>
      %and3A_191 = arith.andi %get3A_188, %and3A_190 : vector<16xi32>
      %mul3A_192 = arith.constant 64 : i32
      %mul3A_193 = vector.broadcast %mul3A_192 : i32 to vector<16xi32>
      %mul3A_194 = arith.muli %and3A_191, %mul3A_193 : vector<16xi32>
      %swap3A_195 = arith.index_cast %mul3A_160 : i32 to index
      %swap3A_196 = tpu.vector_load %arg13[%swap3A_195] {strides = array<i32>} : memref<512xi32, #tpu.memory_space<vmem>>, vector<16xi32>,
      tpu.vector_store %arg13[%swap3A_195], %mul3A_194 {strides = array<i32>} : memref<512xi32, #tpu.memory_space<vmem>>, vector<16xi32>,
      %shift_right_logical3A_197 = arith.constant 1 : i32
      %shift_right_logical3A_198 = vector.broadcast %shift_right_logical3A_197 : i32 to vector<16xi32>
      %shift_right_logical3A_199 = arith.shrui %get3A_188, %shift_right_logical3A_198 : vector<16xi32>
      %swap3A_200 = arith.index_cast %mul3A_160 : i32 to index
      %swap3A_201 = tpu.vector_load %arg10[%swap3A_200] {strides = array<i32>} : memref<512xi32, #tpu.memory_space<vmem>>, vector<16xi32>,
      tpu.vector_store %arg10[%swap3A_200], %shift_right_logical3A_199 {strides = array<i32>} : memref<512xi32, #tpu.memory_space<vmem>>, vector<16xi32>,
    }
    %scan3A_7 = arith.constant 32 : i32
    %iota3A = tpu.iota {dimensions = array<i32: 0>} : vector<16xi32>
    %dma_start3A = arith.constant 0 : i32
    %dma_start3A_8 = tpu.memref_slice %arg8[%dma_start3A] : memref<512xi32, #tpu.memory_space<vmem>> -> memref<128xi32, #tpu.memory_space<vmem>>
    %dma_start3A_9 = arith.constant 0 : i32
    %dma_start3A_10 = arith.constant 0 : i32
    %dma_start3A_11 = tpu.memref_slice %arg2[%dma_start3A_9, %dma_start3A_10] : memref<500000x128xf32, #tpu.memory_space<hbm>> -> memref<500000x128xf32, #tpu.memory_space<hbm>>
    tpu.enqueue_indirect_dma source(%dma_start3A_11 : memref<500000x128xf32, #tpu.memory_space<hbm>>) target(%arg14 : memref<128x128xf32, #tpu.memory_space<vmem>>) offsets(%dma_start3A_8 : memref<128xi32, #tpu.memory_space<vmem>>) semaphore(%arg18 : memref<!tpu.dma_semaphore, #tpu.memory_space<semaphore_mem>>)
    %dma_start3A_12 = arith.constant 0 : i32
    %dma_start3A_13 = tpu.memref_slice %arg9[%dma_start3A_12] : memref<512xi32, #tpu.memory_space<vmem>> -> memref<128xi32, #tpu.memory_space<vmem>>
    %dma_start3A_14 = arith.constant 0 : i32
    %dma_start3A_15 = arith.constant 0 : i32
    %dma_start3A_16 = tpu.memref_slice %arg2[%dma_start3A_14, %dma_start3A_15] : memref<500000x128xf32, #tpu.memory_space<hbm>> -> memref<500000x128xf32, #tpu.memory_space<hbm>>
    tpu.enqueue_indirect_dma source(%dma_start3A_16 : memref<500000x128xf32, #tpu.memory_space<hbm>>) target(%arg15 : memref<128x128xf32, #tpu.memory_space<vmem>>) offsets(%dma_start3A_13 : memref<128xi32, #tpu.memory_space<vmem>>) semaphore(%arg19 : memref<!tpu.dma_semaphore, #tpu.memory_space<semaphore_mem>>)
    %dma_start3A_17 = arith.constant 0 : i32
    %dma_start3A_18 = tpu.memref_slice %arg10[%dma_start3A_17] : memref<512xi32, #tpu.memory_space<vmem>> -> memref<128xi32, #tpu.memory_space<vmem>>
    %dma_start3A_19 = arith.constant 0 : i32
    %dma_start3A_20 = arith.constant 0 : i32
    %dma_start3A_21 = tpu.memref_slice %arg3[%dma_start3A_19, %dma_start3A_20] : memref<500x128xf32, #tpu.memory_space<hbm>> -> memref<500x128xf32, #tpu.memory_space<hbm>>
    tpu.enqueue_indirect_dma source(%dma_start3A_21 : memref<500x128xf32, #tpu.memory_space<hbm>>) target(%arg16 : memref<128x128xf32, #tpu.memory_space<vmem>>) offsets(%dma_start3A_18 : memref<128xi32, #tpu.memory_space<vmem>>) semaphore(%arg20 : memref<!tpu.dma_semaphore, #tpu.memory_space<semaphore_mem>>)
    %dma_wait3A = arith.constant 0 : i32
    %dma_wait3A_22 = tpu.memref_slice %arg8[%dma_wait3A] : memref<512xi32, #tpu.memory_space<vmem>> -> memref<128xi32, #tpu.memory_space<vmem>>
    %dma_wait3A_23 = arith.constant 0 : i32
    %dma_wait3A_24 = arith.constant 0 : i32
    %dma_wait3A_25 = tpu.memref_slice %arg2[%dma_wait3A_23, %dma_wait3A_24] : memref<500000x128xf32, #tpu.memory_space<hbm>> -> memref<500000x128xf32, #tpu.memory_space<hbm>>
    tpu.wait_indirect_dma semaphore(%arg18 : memref<!tpu.dma_semaphore, #tpu.memory_space<semaphore_mem>>) src(%dma_wait3A_25 : memref<500000x128xf32, #tpu.memory_space<hbm>>) dst(%arg14 : memref<128x128xf32, #tpu.memory_space<vmem>>)
    %dma_wait3A_26 = arith.constant 0 : i32
    %dma_wait3A_27 = tpu.memref_slice %arg9[%dma_wait3A_26] : memref<512xi32, #tpu.memory_space<vmem>> -> memref<128xi32, #tpu.memory_space<vmem>>
    %dma_wait3A_28 = arith.constant 0 : i32
    %dma_wait3A_29 = arith.constant 0 : i32
    %dma_wait3A_30 = tpu.memref_slice %arg2[%dma_wait3A_28, %dma_wait3A_29] : memref<500000x128xf32, #tpu.memory_space<hbm>> -> memref<500000x128xf32, #tpu.memory_space<hbm>>
    tpu.wait_indirect_dma semaphore(%arg19 : memref<!tpu.dma_semaphore, #tpu.memory_space<semaphore_mem>>) src(%dma_wait3A_30 : memref<500000x128xf32, #tpu.memory_space<hbm>>) dst(%arg15 : memref<128x128xf32, #tpu.memory_space<vmem>>)
    %dma_wait3A_31 = arith.constant 0 : i32
    %dma_wait3A_32 = tpu.memref_slice %arg10[%dma_wait3A_31] : memref<512xi32, #tpu.memory_space<vmem>> -> memref<128xi32, #tpu.memory_space<vmem>>
    %dma_wait3A_33 = arith.constant 0 : i32
    %dma_wait3A_34 = arith.constant 0 : i32
    %dma_wait3A_35 = tpu.memref_slice %arg3[%dma_wait3A_33, %dma_wait3A_34] : memref<500x128xf32, #tpu.memory_space<hbm>> -> memref<500x128xf32, #tpu.memory_space<hbm>>
    tpu.wait_indirect_dma semaphore(%arg20 : memref<!tpu.dma_semaphore, #tpu.memory_space<semaphore_mem>>) src(%dma_wait3A_35 : memref<500x128xf32, #tpu.memory_space<hbm>>) dst(%arg16 : memref<128x128xf32, #tpu.memory_space<vmem>>)
    %scan3A_36 = arith.constant 0 : i32
    %scan3A_37 = arith.constant 0 : i32
    %scan3A_38 = arith.constant 128 : i32
    %scan3A_39 = arith.addi %scan3A_37, %scan3A_38 : i32
    %scan3A_40 = arith.constant 1 : i32
    scf.for %scan3A_158 = %scan3A_37 to %scan3A_39 step %scan3A_40  : i32 {
      %broadcast_in_dim3A = vector.broadcast %scan3A_158 : i32 to vector<16xi32>
      %add3A_159 = arith.constant 0 : i32
      %add3A_160 = arith.addi %add3A_159, %scan3A_158 : i32
      %broadcast_in_dim3A_161 = vector.broadcast %add3A_160 : i32 to vector<16xi32>
      %gather3A = tpu.vector_load_idx %arg11[%broadcast_in_dim3A_161] : memref<512xi32, #tpu.memory_space<vmem>>[vector<16xi32>], vector<16xi32>,
      %gather3A_162 = tpu.vector_load_idx %arg12[%broadcast_in_dim3A_161] : memref<512xi32, #tpu.memory_space<vmem>>[vector<16xi32>], vector<16xi32>,
      %gather3A_163 = tpu.vector_load_idx %arg13[%broadcast_in_dim3A_161] : memref<512xi32, #tpu.memory_space<vmem>>[vector<16xi32>], vector<16xi32>,
      %add3A_164 = arith.constant 0 : i32
      %add3A_165 = vector.broadcast %add3A_164 : i32 to vector<16xi32>
      %add3A_166 = arith.addi %iota3A, %add3A_165 : vector<16xi32>
      %add3A_167 = arith.addi %gather3A, %add3A_166 : vector<16xi32>
      %gather3A_168 = tpu.vector_load_idx %arg14[%broadcast_in_dim3A, %add3A_167] : memref<128x128xf32, #tpu.memory_space<vmem>>[vector<16xi32>, vector<16xi32>], vector<16xf32>,
      %add3A_169 = arith.addi %gather3A_162, %add3A_166 : vector<16xi32>
      %gather3A_170 = tpu.vector_load_idx %arg15[%broadcast_in_dim3A, %add3A_169] : memref<128x128xf32, #tpu.memory_space<vmem>>[vector<16xi32>, vector<16xi32>], vector<16xf32>,
      %add3A_171 = arith.addi %gather3A_163, %add3A_166 : vector<16xi32>
      %gather3A_172 = tpu.vector_load_idx %arg16[%broadcast_in_dim3A, %add3A_171] : memref<128x128xf32, #tpu.memory_space<vmem>>[vector<16xi32>, vector<16xi32>], vector<16xf32>,
      %add3A_173 = arith.addf %gather3A_168, %gather3A_172 : vector<16xf32>
      %sub3A = arith.subf %add3A_173, %gather3A_170 : vector<16xf32>
      %swap3A = arith.index_cast %scan3A_158 : i32 to index
      %swap3A_174 = arith.constant 0 : index
      %swap3A_175 = tpu.vector_load %arg17[%swap3A, %swap3A_174] {strides = array<i32>} : memref<128x64xf32, #tpu.memory_space<vmem>>, vector<16xf32>,
      tpu.vector_store %arg17[%swap3A, %swap3A_174], %sub3A {strides = array<i32>} : memref<128x64xf32, #tpu.memory_space<vmem>>, vector<16xf32>,
      %add3A_176 = arith.constant 16 : i32
      %add3A_177 = vector.broadcast %add3A_176 : i32 to vector<16xi32>
      %add3A_178 = arith.addi %iota3A, %add3A_177 : vector<16xi32>
      %add3A_179 = arith.addi %gather3A, %add3A_178 : vector<16xi32>
      %gather3A_180 = tpu.vector_load_idx %arg14[%broadcast_in_dim3A, %add3A_179] : memref<128x128xf32, #tpu.memory_space<vmem>>[vector<16xi32>, vector<16xi32>], vector<16xf32>,
      %add3A_181 = arith.addi %gather3A_162, %add3A_178 : vector<16xi32>
      %gather3A_182 = tpu.vector_load_idx %arg15[%broadcast_in_dim3A, %add3A_181] : memref<128x128xf32, #tpu.memory_space<vmem>>[vector<16xi32>, vector<16xi32>], vector<16xf32>,
      %add3A_183 = arith.addi %gather3A_163, %add3A_178 : vector<16xi32>
      %gather3A_184 = tpu.vector_load_idx %arg16[%broadcast_in_dim3A, %add3A_183] : memref<128x128xf32, #tpu.memory_space<vmem>>[vector<16xi32>, vector<16xi32>], vector<16xf32>,
      %add3A_185 = arith.addf %gather3A_180, %gather3A_184 : vector<16xf32>
      %sub3A_186 = arith.subf %add3A_185, %gather3A_182 : vector<16xf32>
      %swap3A_187 = arith.index_cast %scan3A_158 : i32 to index
      %swap3A_188 = arith.constant 16 : index
      %swap3A_189 = tpu.vector_load %arg17[%swap3A_187, %swap3A_188] {strides = array<i32>} : memref<128x64xf32, #tpu.memory_space<vmem>>, vector<16xf32>,
      tpu.vector_store %arg17[%swap3A_187, %swap3A_188], %sub3A_186 {strides = array<i32>} : memref<128x64xf32, #tpu.memory_space<vmem>>, vector<16xf32>,
      %add3A_190 = arith.constant 32 : i32
      %add3A_191 = vector.broadcast %add3A_190 : i32 to vector<16xi32>
      %add3A_192 = arith.addi %iota3A, %add3A_191 : vector<16xi32>
      %add3A_193 = arith.addi %gather3A, %add3A_192 : vector<16xi32>
      %gather3A_194 = tpu.vector_load_idx %arg14[%broadcast_in_dim3A, %add3A_193] : memref<128x128xf32, #tpu.memory_space<vmem>>[vector<16xi32>, vector<16xi32>], vector<16xf32>,
      %add3A_195 = arith.addi %gather3A_162, %add3A_192 : vector<16xi32>
      %gather3A_196 = tpu.vector_load_idx %arg15[%broadcast_in_dim3A, %add3A_195] : memref<128x128xf32, #tpu.memory_space<vmem>>[vector<16xi32>, vector<16xi32>], vector<16xf32>,
      %add3A_197 = arith.addi %gather3A_163, %add3A_192 : vector<16xi32>
      %gather3A_198 = tpu.vector_load_idx %arg16[%broadcast_in_dim3A, %add3A_197] : memref<128x128xf32, #tpu.memory_space<vmem>>[vector<16xi32>, vector<16xi32>], vector<16xf32>,
      %add3A_199 = arith.addf %gather3A_194, %gather3A_198 : vector<16xf32>
      %sub3A_200 = arith.subf %add3A_199, %gather3A_196 : vector<16xf32>
      %swap3A_201 = arith.index_cast %scan3A_158 : i32 to index
      %swap3A_202 = arith.constant 32 : index
      %swap3A_203 = tpu.vector_load %arg17[%swap3A_201, %swap3A_202] {strides = array<i32>} : memref<128x64xf32, #tpu.memory_space<vmem>>, vector<16xf32>,
      tpu.vector_store %arg17[%swap3A_201, %swap3A_202], %sub3A_200 {strides = array<i32>} : memref<128x64xf32, #tpu.memory_space<vmem>>, vector<16xf32>,
      %add3A_204 = arith.constant 48 : i32
      %add3A_205 = vector.broadcast %add3A_204 : i32 to vector<16xi32>
      %add3A_206 = arith.addi %iota3A, %add3A_205 : vector<16xi32>
      %add3A_207 = arith.addi %gather3A, %add3A_206 : vector<16xi32>
      %gather3A_208 = tpu.vector_load_idx %arg14[%broadcast_in_dim3A, %add3A_207] : memref<128x128xf32, #tpu.memory_space<vmem>>[vector<16xi32>, vector<16xi32>], vector<16xf32>,
      %add3A_209 = arith.addi %gather3A_162, %add3A_206 : vector<16xi32>
      %gather3A_210 = tpu.vector_load_idx %arg15[%broadcast_in_dim3A, %add3A_209] : memref<128x128xf32, #tpu.memory_space<vmem>>[vector<16xi32>, vector<16xi32>], vector<16xf32>,
      %add3A_211 = arith.addi %gather3A_163, %add3A_206 : vector<16xi32>
      %gather3A_212 = tpu.vector_load_idx %arg16[%broadcast_in_dim3A, %add3A_211] : memref<128x128xf32, #tpu.memory_space<vmem>>[vector<16xi32>, vector<16xi32>], vector<16xf32>,
      %add3A_213 = arith.addf %gather3A_208, %gather3A_212 : vector<16xf32>
      %sub3A_214 = arith.subf %add3A_213, %gather3A_210 : vector<16xf32>
      %swap3A_215 = arith.index_cast %scan3A_158 : i32 to index
      %swap3A_216 = arith.constant 48 : index
      %swap3A_217 = tpu.vector_load %arg17[%swap3A_215, %swap3A_216] {strides = array<i32>} : memref<128x64xf32, #tpu.memory_space<vmem>>, vector<16xf32>,
      tpu.vector_store %arg17[%swap3A_215, %swap3A_216], %sub3A_214 {strides = array<i32>} : memref<128x64xf32, #tpu.memory_space<vmem>>, vector<16xf32>,
    }
    %scan3A_41 = arith.constant 128 : i32
    %add3A_42 = arith.constant 0 : i32
    %add3A_43 = arith.addi %mul3A_2, %add3A_42 : i32
    "tpu.region"() ({
      %run_scoped3A = tpu.sem_alloc : memref<!tpu.dma_semaphore, #tpu.memory_space<semaphore_mem>>
      %dma_start3A_158 = arith.constant 0 : i32
      %dma_start3A_159 = tpu.memref_slice %arg7[%add3A_43, %dma_start3A_158] : memref<16384x64xf32, #tpu.memory_space<hbm>> -> memref<128x64xf32, #tpu.memory_space<hbm>>
      %dma_start3A_160 = arith.constant 0 : i32
      %dma_start3A_161 = tpu.memref_slice %arg7[%add3A_43, %dma_start3A_160] : memref<16384x64xf32, #tpu.memory_space<hbm>> -> memref<128x64xf32, #tpu.memory_space<hbm>>
      tpu.enqueue_dma source(%arg17 : memref<128x64xf32, #tpu.memory_space<vmem>>) target(%dma_start3A_161 : memref<128x64xf32, #tpu.memory_space<hbm>>) target_semaphore(%run_scoped3A : memref<!tpu.dma_semaphore, #tpu.memory_space<semaphore_mem>>)
      %dma_wait3A_162 = arith.constant 0 : i32
      %dma_wait3A_163 = tpu.memref_slice %arg7[%add3A_43, %dma_wait3A_162] : memref<16384x64xf32, #tpu.memory_space<hbm>> -> memref<128x64xf32, #tpu.memory_space<hbm>>
      %dma_wait3A_164 = arith.constant 0 : i32
      %dma_wait3A_165 = tpu.memref_slice %arg7[%add3A_43, %dma_wait3A_164] : memref<16384x64xf32, #tpu.memory_space<hbm>> -> memref<128x64xf32, #tpu.memory_space<hbm>>
      tpu.wait_dma2 semaphore(%run_scoped3A : memref<!tpu.dma_semaphore, #tpu.memory_space<semaphore_mem>>) src(%arg17 : memref<128x64xf32, #tpu.memory_space<vmem>>) dst(%dma_wait3A_165 : memref<128x64xf32, #tpu.memory_space<hbm>>)
      tpu.yield
    }) : () -> ()
    %dma_start3A_44 = arith.constant 128 : i32
    %dma_start3A_45 = tpu.memref_slice %arg8[%dma_start3A_44] : memref<512xi32, #tpu.memory_space<vmem>> -> memref<128xi32, #tpu.memory_space<vmem>>
    %dma_start3A_46 = arith.constant 0 : i32
    %dma_start3A_47 = arith.constant 0 : i32
    %dma_start3A_48 = tpu.memref_slice %arg2[%dma_start3A_46, %dma_start3A_47] : memref<500000x128xf32, #tpu.memory_space<hbm>> -> memref<500000x128xf32, #tpu.memory_space<hbm>>
    tpu.enqueue_indirect_dma source(%dma_start3A_48 : memref<500000x128xf32, #tpu.memory_space<hbm>>) target(%arg14 : memref<128x128xf32, #tpu.memory_space<vmem>>) offsets(%dma_start3A_45 : memref<128xi32, #tpu.memory_space<vmem>>) semaphore(%arg18 : memref<!tpu.dma_semaphore, #tpu.memory_space<semaphore_mem>>)
    %dma_start3A_49 = arith.constant 128 : i32
    %dma_start3A_50 = tpu.memref_slice %arg9[%dma_start3A_49] : memref<512xi32, #tpu.memory_space<vmem>> -> memref<128xi32, #tpu.memory_space<vmem>>
    %dma_start3A_51 = arith.constant 0 : i32
    %dma_start3A_52 = arith.constant 0 : i32
    %dma_start3A_53 = tpu.memref_slice %arg2[%dma_start3A_51, %dma_start3A_52] : memref<500000x128xf32, #tpu.memory_space<hbm>> -> memref<500000x128xf32, #tpu.memory_space<hbm>>
    tpu.enqueue_indirect_dma source(%dma_start3A_53 : memref<500000x128xf32, #tpu.memory_space<hbm>>) target(%arg15 : memref<128x128xf32, #tpu.memory_space<vmem>>) offsets(%dma_start3A_50 : memref<128xi32, #tpu.memory_space<vmem>>) semaphore(%arg19 : memref<!tpu.dma_semaphore, #tpu.memory_space<semaphore_mem>>)
    %dma_start3A_54 = arith.constant 128 : i32
    %dma_start3A_55 = tpu.memref_slice %arg10[%dma_start3A_54] : memref<512xi32, #tpu.memory_space<vmem>> -> memref<128xi32, #tpu.memory_space<vmem>>
    %dma_start3A_56 = arith.constant 0 : i32
    %dma_start3A_57 = arith.constant 0 : i32
    %dma_start3A_58 = tpu.memref_slice %arg3[%dma_start3A_56, %dma_start3A_57] : memref<500x128xf32, #tpu.memory_space<hbm>> -> memref<500x128xf32, #tpu.memory_space<hbm>>
    tpu.enqueue_indirect_dma source(%dma_start3A_58 : memref<500x128xf32, #tpu.memory_space<hbm>>) target(%arg16 : memref<128x128xf32, #tpu.memory_space<vmem>>) offsets(%dma_start3A_55 : memref<128xi32, #tpu.memory_space<vmem>>) semaphore(%arg20 : memref<!tpu.dma_semaphore, #tpu.memory_space<semaphore_mem>>)
    %dma_wait3A_59 = arith.constant 128 : i32
    %dma_wait3A_60 = tpu.memref_slice %arg8[%dma_wait3A_59] : memref<512xi32, #tpu.memory_space<vmem>> -> memref<128xi32, #tpu.memory_space<vmem>>
    %dma_wait3A_61 = arith.constant 0 : i32
    %dma_wait3A_62 = arith.constant 0 : i32
    %dma_wait3A_63 = tpu.memref_slice %arg2[%dma_wait3A_61, %dma_wait3A_62] : memref<500000x128xf32, #tpu.memory_space<hbm>> -> memref<500000x128xf32, #tpu.memory_space<hbm>>
    tpu.wait_indirect_dma semaphore(%arg18 : memref<!tpu.dma_semaphore, #tpu.memory_space<semaphore_mem>>) src(%dma_wait3A_63 : memref<500000x128xf32, #tpu.memory_space<hbm>>) dst(%arg14 : memref<128x128xf32, #tpu.memory_space<vmem>>)
    %dma_wait3A_64 = arith.constant 128 : i32
    %dma_wait3A_65 = tpu.memref_slice %arg9[%dma_wait3A_64] : memref<512xi32, #tpu.memory_space<vmem>> -> memref<128xi32, #tpu.memory_space<vmem>>
    %dma_wait3A_66 = arith.constant 0 : i32
    %dma_wait3A_67 = arith.constant 0 : i32
    %dma_wait3A_68 = tpu.memref_slice %arg2[%dma_wait3A_66, %dma_wait3A_67] : memref<500000x128xf32, #tpu.memory_space<hbm>> -> memref<500000x128xf32, #tpu.memory_space<hbm>>
    tpu.wait_indirect_dma semaphore(%arg19 : memref<!tpu.dma_semaphore, #tpu.memory_space<semaphore_mem>>) src(%dma_wait3A_68 : memref<500000x128xf32, #tpu.memory_space<hbm>>) dst(%arg15 : memref<128x128xf32, #tpu.memory_space<vmem>>)
    %dma_wait3A_69 = arith.constant 128 : i32
    %dma_wait3A_70 = tpu.memref_slice %arg10[%dma_wait3A_69] : memref<512xi32, #tpu.memory_space<vmem>> -> memref<128xi32, #tpu.memory_space<vmem>>
    %dma_wait3A_71 = arith.constant 0 : i32
    %dma_wait3A_72 = arith.constant 0 : i32
    %dma_wait3A_73 = tpu.memref_slice %arg3[%dma_wait3A_71, %dma_wait3A_72] : memref<500x128xf32, #tpu.memory_space<hbm>> -> memref<500x128xf32, #tpu.memory_space<hbm>>
    tpu.wait_indirect_dma semaphore(%arg20 : memref<!tpu.dma_semaphore, #tpu.memory_space<semaphore_mem>>) src(%dma_wait3A_73 : memref<500x128xf32, #tpu.memory_space<hbm>>) dst(%arg16 : memref<128x128xf32, #tpu.memory_space<vmem>>)
    %scan3A_74 = arith.constant 0 : i32
    %scan3A_75 = arith.constant 0 : i32
    %scan3A_76 = arith.constant 128 : i32
    %scan3A_77 = arith.addi %scan3A_75, %scan3A_76 : i32
    %scan3A_78 = arith.constant 1 : i32
    scf.for %scan3A_158 = %scan3A_75 to %scan3A_77 step %scan3A_78  : i32 {
      %broadcast_in_dim3A = vector.broadcast %scan3A_158 : i32 to vector<16xi32>
      %add3A_159 = arith.constant 128 : i32
      %add3A_160 = arith.addi %add3A_159, %scan3A_158 : i32
      %broadcast_in_dim3A_161 = vector.broadcast %add3A_160 : i32 to vector<16xi32>
      %gather3A = tpu.vector_load_idx %arg11[%broadcast_in_dim3A_161] : memref<512xi32, #tpu.memory_space<vmem>>[vector<16xi32>], vector<16xi32>,
      %gather3A_162 = tpu.vector_load_idx %arg12[%broadcast_in_dim3A_161] : memref<512xi32, #tpu.memory_space<vmem>>[vector<16xi32>], vector<16xi32>,
      %gather3A_163 = tpu.vector_load_idx %arg13[%broadcast_in_dim3A_161] : memref<512xi32, #tpu.memory_space<vmem>>[vector<16xi32>], vector<16xi32>,
      %add3A_164 = arith.constant 0 : i32
      %add3A_165 = vector.broadcast %add3A_164 : i32 to vector<16xi32>
      %add3A_166 = arith.addi %iota3A, %add3A_165 : vector<16xi32>
      %add3A_167 = arith.addi %gather3A, %add3A_166 : vector<16xi32>
      %gather3A_168 = tpu.vector_load_idx %arg14[%broadcast_in_dim3A, %add3A_167] : memref<128x128xf32, #tpu.memory_space<vmem>>[vector<16xi32>, vector<16xi32>], vector<16xf32>,
      %add3A_169 = arith.addi %gather3A_162, %add3A_166 : vector<16xi32>
      %gather3A_170 = tpu.vector_load_idx %arg15[%broadcast_in_dim3A, %add3A_169] : memref<128x128xf32, #tpu.memory_space<vmem>>[vector<16xi32>, vector<16xi32>], vector<16xf32>,
      %add3A_171 = arith.addi %gather3A_163, %add3A_166 : vector<16xi32>
      %gather3A_172 = tpu.vector_load_idx %arg16[%broadcast_in_dim3A, %add3A_171] : memref<128x128xf32, #tpu.memory_space<vmem>>[vector<16xi32>, vector<16xi32>], vector<16xf32>,
      %add3A_173 = arith.addf %gather3A_168, %gather3A_172 : vector<16xf32>
      %sub3A = arith.subf %add3A_173, %gather3A_170 : vector<16xf32>
      %swap3A = arith.index_cast %scan3A_158 : i32 to index
      %swap3A_174 = arith.constant 0 : index
      %swap3A_175 = tpu.vector_load %arg17[%swap3A, %swap3A_174] {strides = array<i32>} : memref<128x64xf32, #tpu.memory_space<vmem>>, vector<16xf32>,
      tpu.vector_store %arg17[%swap3A, %swap3A_174], %sub3A {strides = array<i32>} : memref<128x64xf32, #tpu.memory_space<vmem>>, vector<16xf32>,
      %add3A_176 = arith.constant 16 : i32
      %add3A_177 = vector.broadcast %add3A_176 : i32 to vector<16xi32>
      %add3A_178 = arith.addi %iota3A, %add3A_177 : vector<16xi32>
      %add3A_179 = arith.addi %gather3A, %add3A_178 : vector<16xi32>
      %gather3A_180 = tpu.vector_load_idx %arg14[%broadcast_in_dim3A, %add3A_179] : memref<128x128xf32, #tpu.memory_space<vmem>>[vector<16xi32>, vector<16xi32>], vector<16xf32>,
      %add3A_181 = arith.addi %gather3A_162, %add3A_178 : vector<16xi32>
      %gather3A_182 = tpu.vector_load_idx %arg15[%broadcast_in_dim3A, %add3A_181] : memref<128x128xf32, #tpu.memory_space<vmem>>[vector<16xi32>, vector<16xi32>], vector<16xf32>,
      %add3A_183 = arith.addi %gather3A_163, %add3A_178 : vector<16xi32>
      %gather3A_184 = tpu.vector_load_idx %arg16[%broadcast_in_dim3A, %add3A_183] : memref<128x128xf32, #tpu.memory_space<vmem>>[vector<16xi32>, vector<16xi32>], vector<16xf32>,
      %add3A_185 = arith.addf %gather3A_180, %gather3A_184 : vector<16xf32>
      %sub3A_186 = arith.subf %add3A_185, %gather3A_182 : vector<16xf32>
      %swap3A_187 = arith.index_cast %scan3A_158 : i32 to index
      %swap3A_188 = arith.constant 16 : index
      %swap3A_189 = tpu.vector_load %arg17[%swap3A_187, %swap3A_188] {strides = array<i32>} : memref<128x64xf32, #tpu.memory_space<vmem>>, vector<16xf32>,
      tpu.vector_store %arg17[%swap3A_187, %swap3A_188], %sub3A_186 {strides = array<i32>} : memref<128x64xf32, #tpu.memory_space<vmem>>, vector<16xf32>,
      %add3A_190 = arith.constant 32 : i32
      %add3A_191 = vector.broadcast %add3A_190 : i32 to vector<16xi32>
      %add3A_192 = arith.addi %iota3A, %add3A_191 : vector<16xi32>
      %add3A_193 = arith.addi %gather3A, %add3A_192 : vector<16xi32>
      %gather3A_194 = tpu.vector_load_idx %arg14[%broadcast_in_dim3A, %add3A_193] : memref<128x128xf32, #tpu.memory_space<vmem>>[vector<16xi32>, vector<16xi32>], vector<16xf32>,
      %add3A_195 = arith.addi %gather3A_162, %add3A_192 : vector<16xi32>
      %gather3A_196 = tpu.vector_load_idx %arg15[%broadcast_in_dim3A, %add3A_195] : memref<128x128xf32, #tpu.memory_space<vmem>>[vector<16xi32>, vector<16xi32>], vector<16xf32>,
      %add3A_197 = arith.addi %gather3A_163, %add3A_192 : vector<16xi32>
      %gather3A_198 = tpu.vector_load_idx %arg16[%broadcast_in_dim3A, %add3A_197] : memref<128x128xf32, #tpu.memory_space<vmem>>[vector<16xi32>, vector<16xi32>], vector<16xf32>,
      %add3A_199 = arith.addf %gather3A_194, %gather3A_198 : vector<16xf32>
      %sub3A_200 = arith.subf %add3A_199, %gather3A_196 : vector<16xf32>
      %swap3A_201 = arith.index_cast %scan3A_158 : i32 to index
      %swap3A_202 = arith.constant 32 : index
      %swap3A_203 = tpu.vector_load %arg17[%swap3A_201, %swap3A_202] {strides = array<i32>} : memref<128x64xf32, #tpu.memory_space<vmem>>, vector<16xf32>,
      tpu.vector_store %arg17[%swap3A_201, %swap3A_202], %sub3A_200 {strides = array<i32>} : memref<128x64xf32, #tpu.memory_space<vmem>>, vector<16xf32>,
      %add3A_204 = arith.constant 48 : i32
      %add3A_205 = vector.broadcast %add3A_204 : i32 to vector<16xi32>
      %add3A_206 = arith.addi %iota3A, %add3A_205 : vector<16xi32>
      %add3A_207 = arith.addi %gather3A, %add3A_206 : vector<16xi32>
      %gather3A_208 = tpu.vector_load_idx %arg14[%broadcast_in_dim3A, %add3A_207] : memref<128x128xf32, #tpu.memory_space<vmem>>[vector<16xi32>, vector<16xi32>], vector<16xf32>,
      %add3A_209 = arith.addi %gather3A_162, %add3A_206 : vector<16xi32>
      %gather3A_210 = tpu.vector_load_idx %arg15[%broadcast_in_dim3A, %add3A_209] : memref<128x128xf32, #tpu.memory_space<vmem>>[vector<16xi32>, vector<16xi32>], vector<16xf32>,
      %add3A_211 = arith.addi %gather3A_163, %add3A_206 : vector<16xi32>
      %gather3A_212 = tpu.vector_load_idx %arg16[%broadcast_in_dim3A, %add3A_211] : memref<128x128xf32, #tpu.memory_space<vmem>>[vector<16xi32>, vector<16xi32>], vector<16xf32>,
      %add3A_213 = arith.addf %gather3A_208, %gather3A_212 : vector<16xf32>
      %sub3A_214 = arith.subf %add3A_213, %gather3A_210 : vector<16xf32>
      %swap3A_215 = arith.index_cast %scan3A_158 : i32 to index
      %swap3A_216 = arith.constant 48 : index
      %swap3A_217 = tpu.vector_load %arg17[%swap3A_215, %swap3A_216] {strides = array<i32>} : memref<128x64xf32, #tpu.memory_space<vmem>>, vector<16xf32>,
      tpu.vector_store %arg17[%swap3A_215, %swap3A_216], %sub3A_214 {strides = array<i32>} : memref<128x64xf32, #tpu.memory_space<vmem>>, vector<16xf32>,
    }
    %scan3A_79 = arith.constant 128 : i32
    %add3A_80 = arith.constant 128 : i32
    %add3A_81 = arith.addi %mul3A_2, %add3A_80 : i32
    "tpu.region"() ({
      %run_scoped3A = tpu.sem_alloc : memref<!tpu.dma_semaphore, #tpu.memory_space<semaphore_mem>>
      %dma_start3A_158 = arith.constant 0 : i32
      %dma_start3A_159 = tpu.memref_slice %arg7[%add3A_81, %dma_start3A_158] : memref<16384x64xf32, #tpu.memory_space<hbm>> -> memref<128x64xf32, #tpu.memory_space<hbm>>
      %dma_start3A_160 = arith.constant 0 : i32
      %dma_start3A_161 = tpu.memref_slice %arg7[%add3A_81, %dma_start3A_160] : memref<16384x64xf32, #tpu.memory_space<hbm>> -> memref<128x64xf32, #tpu.memory_space<hbm>>
      tpu.enqueue_dma source(%arg17 : memref<128x64xf32, #tpu.memory_space<vmem>>) target(%dma_start3A_161 : memref<128x64xf32, #tpu.memory_space<hbm>>) target_semaphore(%run_scoped3A : memref<!tpu.dma_semaphore, #tpu.memory_space<semaphore_mem>>)
      %dma_wait3A_162 = arith.constant 0 : i32
      %dma_wait3A_163 = tpu.memref_slice %arg7[%add3A_81, %dma_wait3A_162] : memref<16384x64xf32, #tpu.memory_space<hbm>> -> memref<128x64xf32, #tpu.memory_space<hbm>>
      %dma_wait3A_164 = arith.constant 0 : i32
      %dma_wait3A_165 = tpu.memref_slice %arg7[%add3A_81, %dma_wait3A_164] : memref<16384x64xf32, #tpu.memory_space<hbm>> -> memref<128x64xf32, #tpu.memory_space<hbm>>
      tpu.wait_dma2 semaphore(%run_scoped3A : memref<!tpu.dma_semaphore, #tpu.memory_space<semaphore_mem>>) src(%arg17 : memref<128x64xf32, #tpu.memory_space<vmem>>) dst(%dma_wait3A_165 : memref<128x64xf32, #tpu.memory_space<hbm>>)
      tpu.yield
    }) : () -> ()
    %dma_start3A_82 = arith.constant 256 : i32
    %dma_start3A_83 = tpu.memref_slice %arg8[%dma_start3A_82] : memref<512xi32, #tpu.memory_space<vmem>> -> memref<128xi32, #tpu.memory_space<vmem>>
    %dma_start3A_84 = arith.constant 0 : i32
    %dma_start3A_85 = arith.constant 0 : i32
    %dma_start3A_86 = tpu.memref_slice %arg2[%dma_start3A_84, %dma_start3A_85] : memref<500000x128xf32, #tpu.memory_space<hbm>> -> memref<500000x128xf32, #tpu.memory_space<hbm>>
    tpu.enqueue_indirect_dma source(%dma_start3A_86 : memref<500000x128xf32, #tpu.memory_space<hbm>>) target(%arg14 : memref<128x128xf32, #tpu.memory_space<vmem>>) offsets(%dma_start3A_83 : memref<128xi32, #tpu.memory_space<vmem>>) semaphore(%arg18 : memref<!tpu.dma_semaphore, #tpu.memory_space<semaphore_mem>>)
    %dma_start3A_87 = arith.constant 256 : i32
    %dma_start3A_88 = tpu.memref_slice %arg9[%dma_start3A_87] : memref<512xi32, #tpu.memory_space<vmem>> -> memref<128xi32, #tpu.memory_space<vmem>>
    %dma_start3A_89 = arith.constant 0 : i32
    %dma_start3A_90 = arith.constant 0 : i32
    %dma_start3A_91 = tpu.memref_slice %arg2[%dma_start3A_89, %dma_start3A_90] : memref<500000x128xf32, #tpu.memory_space<hbm>> -> memref<500000x128xf32, #tpu.memory_space<hbm>>
    tpu.enqueue_indirect_dma source(%dma_start3A_91 : memref<500000x128xf32, #tpu.memory_space<hbm>>) target(%arg15 : memref<128x128xf32, #tpu.memory_space<vmem>>) offsets(%dma_start3A_88 : memref<128xi32, #tpu.memory_space<vmem>>) semaphore(%arg19 : memref<!tpu.dma_semaphore, #tpu.memory_space<semaphore_mem>>)
    %dma_start3A_92 = arith.constant 256 : i32
    %dma_start3A_93 = tpu.memref_slice %arg10[%dma_start3A_92] : memref<512xi32, #tpu.memory_space<vmem>> -> memref<128xi32, #tpu.memory_space<vmem>>
    %dma_start3A_94 = arith.constant 0 : i32
    %dma_start3A_95 = arith.constant 0 : i32
    %dma_start3A_96 = tpu.memref_slice %arg3[%dma_start3A_94, %dma_start3A_95] : memref<500x128xf32, #tpu.memory_space<hbm>> -> memref<500x128xf32, #tpu.memory_space<hbm>>
    tpu.enqueue_indirect_dma source(%dma_start3A_96 : memref<500x128xf32, #tpu.memory_space<hbm>>) target(%arg16 : memref<128x128xf32, #tpu.memory_space<vmem>>) offsets(%dma_start3A_93 : memref<128xi32, #tpu.memory_space<vmem>>) semaphore(%arg20 : memref<!tpu.dma_semaphore, #tpu.memory_space<semaphore_mem>>)
    %dma_wait3A_97 = arith.constant 256 : i32
    %dma_wait3A_98 = tpu.memref_slice %arg8[%dma_wait3A_97] : memref<512xi32, #tpu.memory_space<vmem>> -> memref<128xi32, #tpu.memory_space<vmem>>
    %dma_wait3A_99 = arith.constant 0 : i32
    %dma_wait3A_100 = arith.constant 0 : i32
    %dma_wait3A_101 = tpu.memref_slice %arg2[%dma_wait3A_99, %dma_wait3A_100] : memref<500000x128xf32, #tpu.memory_space<hbm>> -> memref<500000x128xf32, #tpu.memory_space<hbm>>
    tpu.wait_indirect_dma semaphore(%arg18 : memref<!tpu.dma_semaphore, #tpu.memory_space<semaphore_mem>>) src(%dma_wait3A_101 : memref<500000x128xf32, #tpu.memory_space<hbm>>) dst(%arg14 : memref<128x128xf32, #tpu.memory_space<vmem>>)
    %dma_wait3A_102 = arith.constant 256 : i32
    %dma_wait3A_103 = tpu.memref_slice %arg9[%dma_wait3A_102] : memref<512xi32, #tpu.memory_space<vmem>> -> memref<128xi32, #tpu.memory_space<vmem>>
    %dma_wait3A_104 = arith.constant 0 : i32
    %dma_wait3A_105 = arith.constant 0 : i32
    %dma_wait3A_106 = tpu.memref_slice %arg2[%dma_wait3A_104, %dma_wait3A_105] : memref<500000x128xf32, #tpu.memory_space<hbm>> -> memref<500000x128xf32, #tpu.memory_space<hbm>>
    tpu.wait_indirect_dma semaphore(%arg19 : memref<!tpu.dma_semaphore, #tpu.memory_space<semaphore_mem>>) src(%dma_wait3A_106 : memref<500000x128xf32, #tpu.memory_space<hbm>>) dst(%arg15 : memref<128x128xf32, #tpu.memory_space<vmem>>)
    %dma_wait3A_107 = arith.constant 256 : i32
    %dma_wait3A_108 = tpu.memref_slice %arg10[%dma_wait3A_107] : memref<512xi32, #tpu.memory_space<vmem>> -> memref<128xi32, #tpu.memory_space<vmem>>
    %dma_wait3A_109 = arith.constant 0 : i32
    %dma_wait3A_110 = arith.constant 0 : i32
    %dma_wait3A_111 = tpu.memref_slice %arg3[%dma_wait3A_109, %dma_wait3A_110] : memref<500x128xf32, #tpu.memory_space<hbm>> -> memref<500x128xf32, #tpu.memory_space<hbm>>
    tpu.wait_indirect_dma semaphore(%arg20 : memref<!tpu.dma_semaphore, #tpu.memory_space<semaphore_mem>>) src(%dma_wait3A_111 : memref<500x128xf32, #tpu.memory_space<hbm>>) dst(%arg16 : memref<128x128xf32, #tpu.memory_space<vmem>>)
    %scan3A_112 = arith.constant 0 : i32
    %scan3A_113 = arith.constant 0 : i32
    %scan3A_114 = arith.constant 128 : i32
    %scan3A_115 = arith.addi %scan3A_113, %scan3A_114 : i32
    %scan3A_116 = arith.constant 1 : i32
    scf.for %scan3A_158 = %scan3A_113 to %scan3A_115 step %scan3A_116  : i32 {
      %broadcast_in_dim3A = vector.broadcast %scan3A_158 : i32 to vector<16xi32>
      %add3A_159 = arith.constant 256 : i32
      %add3A_160 = arith.addi %add3A_159, %scan3A_158 : i32
      %broadcast_in_dim3A_161 = vector.broadcast %add3A_160 : i32 to vector<16xi32>
      %gather3A = tpu.vector_load_idx %arg11[%broadcast_in_dim3A_161] : memref<512xi32, #tpu.memory_space<vmem>>[vector<16xi32>], vector<16xi32>,
      %gather3A_162 = tpu.vector_load_idx %arg12[%broadcast_in_dim3A_161] : memref<512xi32, #tpu.memory_space<vmem>>[vector<16xi32>], vector<16xi32>,
      %gather3A_163 = tpu.vector_load_idx %arg13[%broadcast_in_dim3A_161] : memref<512xi32, #tpu.memory_space<vmem>>[vector<16xi32>], vector<16xi32>,
      %add3A_164 = arith.constant 0 : i32
      %add3A_165 = vector.broadcast %add3A_164 : i32 to vector<16xi32>
      %add3A_166 = arith.addi %iota3A, %add3A_165 : vector<16xi32>
      %add3A_167 = arith.addi %gather3A, %add3A_166 : vector<16xi32>
      %gather3A_168 = tpu.vector_load_idx %arg14[%broadcast_in_dim3A, %add3A_167] : memref<128x128xf32, #tpu.memory_space<vmem>>[vector<16xi32>, vector<16xi32>], vector<16xf32>,
      %add3A_169 = arith.addi %gather3A_162, %add3A_166 : vector<16xi32>
      %gather3A_170 = tpu.vector_load_idx %arg15[%broadcast_in_dim3A, %add3A_169] : memref<128x128xf32, #tpu.memory_space<vmem>>[vector<16xi32>, vector<16xi32>], vector<16xf32>,
      %add3A_171 = arith.addi %gather3A_163, %add3A_166 : vector<16xi32>
      %gather3A_172 = tpu.vector_load_idx %arg16[%broadcast_in_dim3A, %add3A_171] : memref<128x128xf32, #tpu.memory_space<vmem>>[vector<16xi32>, vector<16xi32>], vector<16xf32>,
      %add3A_173 = arith.addf %gather3A_168, %gather3A_172 : vector<16xf32>
      %sub3A = arith.subf %add3A_173, %gather3A_170 : vector<16xf32>
      %swap3A = arith.index_cast %scan3A_158 : i32 to index
      %swap3A_174 = arith.constant 0 : index
      %swap3A_175 = tpu.vector_load %arg17[%swap3A, %swap3A_174] {strides = array<i32>} : memref<128x64xf32, #tpu.memory_space<vmem>>, vector<16xf32>,
      tpu.vector_store %arg17[%swap3A, %swap3A_174], %sub3A {strides = array<i32>} : memref<128x64xf32, #tpu.memory_space<vmem>>, vector<16xf32>,
      %add3A_176 = arith.constant 16 : i32
      %add3A_177 = vector.broadcast %add3A_176 : i32 to vector<16xi32>
      %add3A_178 = arith.addi %iota3A, %add3A_177 : vector<16xi32>
      %add3A_179 = arith.addi %gather3A, %add3A_178 : vector<16xi32>
      %gather3A_180 = tpu.vector_load_idx %arg14[%broadcast_in_dim3A, %add3A_179] : memref<128x128xf32, #tpu.memory_space<vmem>>[vector<16xi32>, vector<16xi32>], vector<16xf32>,
      %add3A_181 = arith.addi %gather3A_162, %add3A_178 : vector<16xi32>
      %gather3A_182 = tpu.vector_load_idx %arg15[%broadcast_in_dim3A, %add3A_181] : memref<128x128xf32, #tpu.memory_space<vmem>>[vector<16xi32>, vector<16xi32>], vector<16xf32>,
      %add3A_183 = arith.addi %gather3A_163, %add3A_178 : vector<16xi32>
      %gather3A_184 = tpu.vector_load_idx %arg16[%broadcast_in_dim3A, %add3A_183] : memref<128x128xf32, #tpu.memory_space<vmem>>[vector<16xi32>, vector<16xi32>], vector<16xf32>,
      %add3A_185 = arith.addf %gather3A_180, %gather3A_184 : vector<16xf32>
      %sub3A_186 = arith.subf %add3A_185, %gather3A_182 : vector<16xf32>
      %swap3A_187 = arith.index_cast %scan3A_158 : i32 to index
      %swap3A_188 = arith.constant 16 : index
      %swap3A_189 = tpu.vector_load %arg17[%swap3A_187, %swap3A_188] {strides = array<i32>} : memref<128x64xf32, #tpu.memory_space<vmem>>, vector<16xf32>,
      tpu.vector_store %arg17[%swap3A_187, %swap3A_188], %sub3A_186 {strides = array<i32>} : memref<128x64xf32, #tpu.memory_space<vmem>>, vector<16xf32>,
      %add3A_190 = arith.constant 32 : i32
      %add3A_191 = vector.broadcast %add3A_190 : i32 to vector<16xi32>
      %add3A_192 = arith.addi %iota3A, %add3A_191 : vector<16xi32>
      %add3A_193 = arith.addi %gather3A, %add3A_192 : vector<16xi32>
      %gather3A_194 = tpu.vector_load_idx %arg14[%broadcast_in_dim3A, %add3A_193] : memref<128x128xf32, #tpu.memory_space<vmem>>[vector<16xi32>, vector<16xi32>], vector<16xf32>,
      %add3A_195 = arith.addi %gather3A_162, %add3A_192 : vector<16xi32>
      %gather3A_196 = tpu.vector_load_idx %arg15[%broadcast_in_dim3A, %add3A_195] : memref<128x128xf32, #tpu.memory_space<vmem>>[vector<16xi32>, vector<16xi32>], vector<16xf32>,
      %add3A_197 = arith.addi %gather3A_163, %add3A_192 : vector<16xi32>
      %gather3A_198 = tpu.vector_load_idx %arg16[%broadcast_in_dim3A, %add3A_197] : memref<128x128xf32, #tpu.memory_space<vmem>>[vector<16xi32>, vector<16xi32>], vector<16xf32>,
      %add3A_199 = arith.addf %gather3A_194, %gather3A_198 : vector<16xf32>
      %sub3A_200 = arith.subf %add3A_199, %gather3A_196 : vector<16xf32>
      %swap3A_201 = arith.index_cast %scan3A_158 : i32 to index
      %swap3A_202 = arith.constant 32 : index
      %swap3A_203 = tpu.vector_load %arg17[%swap3A_201, %swap3A_202] {strides = array<i32>} : memref<128x64xf32, #tpu.memory_space<vmem>>, vector<16xf32>,
      tpu.vector_store %arg17[%swap3A_201, %swap3A_202], %sub3A_200 {strides = array<i32>} : memref<128x64xf32, #tpu.memory_space<vmem>>, vector<16xf32>,
      %add3A_204 = arith.constant 48 : i32
      %add3A_205 = vector.broadcast %add3A_204 : i32 to vector<16xi32>
      %add3A_206 = arith.addi %iota3A, %add3A_205 : vector<16xi32>
      %add3A_207 = arith.addi %gather3A, %add3A_206 : vector<16xi32>
      %gather3A_208 = tpu.vector_load_idx %arg14[%broadcast_in_dim3A, %add3A_207] : memref<128x128xf32, #tpu.memory_space<vmem>>[vector<16xi32>, vector<16xi32>], vector<16xf32>,
      %add3A_209 = arith.addi %gather3A_162, %add3A_206 : vector<16xi32>
      %gather3A_210 = tpu.vector_load_idx %arg15[%broadcast_in_dim3A, %add3A_209] : memref<128x128xf32, #tpu.memory_space<vmem>>[vector<16xi32>, vector<16xi32>], vector<16xf32>,
      %add3A_211 = arith.addi %gather3A_163, %add3A_206 : vector<16xi32>
      %gather3A_212 = tpu.vector_load_idx %arg16[%broadcast_in_dim3A, %add3A_211] : memref<128x128xf32, #tpu.memory_space<vmem>>[vector<16xi32>, vector<16xi32>], vector<16xf32>,
      %add3A_213 = arith.addf %gather3A_208, %gather3A_212 : vector<16xf32>
      %sub3A_214 = arith.subf %add3A_213, %gather3A_210 : vector<16xf32>
      %swap3A_215 = arith.index_cast %scan3A_158 : i32 to index
      %swap3A_216 = arith.constant 48 : index
      %swap3A_217 = tpu.vector_load %arg17[%swap3A_215, %swap3A_216] {strides = array<i32>} : memref<128x64xf32, #tpu.memory_space<vmem>>, vector<16xf32>,
      tpu.vector_store %arg17[%swap3A_215, %swap3A_216], %sub3A_214 {strides = array<i32>} : memref<128x64xf32, #tpu.memory_space<vmem>>, vector<16xf32>,
    }
    %scan3A_117 = arith.constant 128 : i32
    %add3A_118 = arith.constant 256 : i32
    %add3A_119 = arith.addi %mul3A_2, %add3A_118 : i32
    "tpu.region"() ({
      %run_scoped3A = tpu.sem_alloc : memref<!tpu.dma_semaphore, #tpu.memory_space<semaphore_mem>>
      %dma_start3A_158 = arith.constant 0 : i32
      %dma_start3A_159 = tpu.memref_slice %arg7[%add3A_119, %dma_start3A_158] : memref<16384x64xf32, #tpu.memory_space<hbm>> -> memref<128x64xf32, #tpu.memory_space<hbm>>
      %dma_start3A_160 = arith.constant 0 : i32
      %dma_start3A_161 = tpu.memref_slice %arg7[%add3A_119, %dma_start3A_160] : memref<16384x64xf32, #tpu.memory_space<hbm>> -> memref<128x64xf32, #tpu.memory_space<hbm>>
      tpu.enqueue_dma source(%arg17 : memref<128x64xf32, #tpu.memory_space<vmem>>) target(%dma_start3A_161 : memref<128x64xf32, #tpu.memory_space<hbm>>) target_semaphore(%run_scoped3A : memref<!tpu.dma_semaphore, #tpu.memory_space<semaphore_mem>>)
      %dma_wait3A_162 = arith.constant 0 : i32
      %dma_wait3A_163 = tpu.memref_slice %arg7[%add3A_119, %dma_wait3A_162] : memref<16384x64xf32, #tpu.memory_space<hbm>> -> memref<128x64xf32, #tpu.memory_space<hbm>>
      %dma_wait3A_164 = arith.constant 0 : i32
      %dma_wait3A_165 = tpu.memref_slice %arg7[%add3A_119, %dma_wait3A_164] : memref<16384x64xf32, #tpu.memory_space<hbm>> -> memref<128x64xf32, #tpu.memory_space<hbm>>
      tpu.wait_dma2 semaphore(%run_scoped3A : memref<!tpu.dma_semaphore, #tpu.memory_space<semaphore_mem>>) src(%arg17 : memref<128x64xf32, #tpu.memory_space<vmem>>) dst(%dma_wait3A_165 : memref<128x64xf32, #tpu.memory_space<hbm>>)
      tpu.yield
    }) : () -> ()
    %dma_start3A_120 = arith.constant 384 : i32
    %dma_start3A_121 = tpu.memref_slice %arg8[%dma_start3A_120] : memref<512xi32, #tpu.memory_space<vmem>> -> memref<128xi32, #tpu.memory_space<vmem>>
    %dma_start3A_122 = arith.constant 0 : i32
    %dma_start3A_123 = arith.constant 0 : i32
    %dma_start3A_124 = tpu.memref_slice %arg2[%dma_start3A_122, %dma_start3A_123] : memref<500000x128xf32, #tpu.memory_space<hbm>> -> memref<500000x128xf32, #tpu.memory_space<hbm>>
    tpu.enqueue_indirect_dma source(%dma_start3A_124 : memref<500000x128xf32, #tpu.memory_space<hbm>>) target(%arg14 : memref<128x128xf32, #tpu.memory_space<vmem>>) offsets(%dma_start3A_121 : memref<128xi32, #tpu.memory_space<vmem>>) semaphore(%arg18 : memref<!tpu.dma_semaphore, #tpu.memory_space<semaphore_mem>>)
    %dma_start3A_125 = arith.constant 384 : i32
    %dma_start3A_126 = tpu.memref_slice %arg9[%dma_start3A_125] : memref<512xi32, #tpu.memory_space<vmem>> -> memref<128xi32, #tpu.memory_space<vmem>>
    %dma_start3A_127 = arith.constant 0 : i32
    %dma_start3A_128 = arith.constant 0 : i32
    %dma_start3A_129 = tpu.memref_slice %arg2[%dma_start3A_127, %dma_start3A_128] : memref<500000x128xf32, #tpu.memory_space<hbm>> -> memref<500000x128xf32, #tpu.memory_space<hbm>>
    tpu.enqueue_indirect_dma source(%dma_start3A_129 : memref<500000x128xf32, #tpu.memory_space<hbm>>) target(%arg15 : memref<128x128xf32, #tpu.memory_space<vmem>>) offsets(%dma_start3A_126 : memref<128xi32, #tpu.memory_space<vmem>>) semaphore(%arg19 : memref<!tpu.dma_semaphore, #tpu.memory_space<semaphore_mem>>)
    %dma_start3A_130 = arith.constant 384 : i32
    %dma_start3A_131 = tpu.memref_slice %arg10[%dma_start3A_130] : memref<512xi32, #tpu.memory_space<vmem>> -> memref<128xi32, #tpu.memory_space<vmem>>
    %dma_start3A_132 = arith.constant 0 : i32
    %dma_start3A_133 = arith.constant 0 : i32
    %dma_start3A_134 = tpu.memref_slice %arg3[%dma_start3A_132, %dma_start3A_133] : memref<500x128xf32, #tpu.memory_space<hbm>> -> memref<500x128xf32, #tpu.memory_space<hbm>>
    tpu.enqueue_indirect_dma source(%dma_start3A_134 : memref<500x128xf32, #tpu.memory_space<hbm>>) target(%arg16 : memref<128x128xf32, #tpu.memory_space<vmem>>) offsets(%dma_start3A_131 : memref<128xi32, #tpu.memory_space<vmem>>) semaphore(%arg20 : memref<!tpu.dma_semaphore, #tpu.memory_space<semaphore_mem>>)
    %dma_wait3A_135 = arith.constant 384 : i32
    %dma_wait3A_136 = tpu.memref_slice %arg8[%dma_wait3A_135] : memref<512xi32, #tpu.memory_space<vmem>> -> memref<128xi32, #tpu.memory_space<vmem>>
    %dma_wait3A_137 = arith.constant 0 : i32
    %dma_wait3A_138 = arith.constant 0 : i32
    %dma_wait3A_139 = tpu.memref_slice %arg2[%dma_wait3A_137, %dma_wait3A_138] : memref<500000x128xf32, #tpu.memory_space<hbm>> -> memref<500000x128xf32, #tpu.memory_space<hbm>>
    tpu.wait_indirect_dma semaphore(%arg18 : memref<!tpu.dma_semaphore, #tpu.memory_space<semaphore_mem>>) src(%dma_wait3A_139 : memref<500000x128xf32, #tpu.memory_space<hbm>>) dst(%arg14 : memref<128x128xf32, #tpu.memory_space<vmem>>)
    %dma_wait3A_140 = arith.constant 384 : i32
    %dma_wait3A_141 = tpu.memref_slice %arg9[%dma_wait3A_140] : memref<512xi32, #tpu.memory_space<vmem>> -> memref<128xi32, #tpu.memory_space<vmem>>
    %dma_wait3A_142 = arith.constant 0 : i32
    %dma_wait3A_143 = arith.constant 0 : i32
    %dma_wait3A_144 = tpu.memref_slice %arg2[%dma_wait3A_142, %dma_wait3A_143] : memref<500000x128xf32, #tpu.memory_space<hbm>> -> memref<500000x128xf32, #tpu.memory_space<hbm>>
    tpu.wait_indirect_dma semaphore(%arg19 : memref<!tpu.dma_semaphore, #tpu.memory_space<semaphore_mem>>) src(%dma_wait3A_144 : memref<500000x128xf32, #tpu.memory_space<hbm>>) dst(%arg15 : memref<128x128xf32, #tpu.memory_space<vmem>>)
    %dma_wait3A_145 = arith.constant 384 : i32
    %dma_wait3A_146 = tpu.memref_slice %arg10[%dma_wait3A_145] : memref<512xi32, #tpu.memory_space<vmem>> -> memref<128xi32, #tpu.memory_space<vmem>>
    %dma_wait3A_147 = arith.constant 0 : i32
    %dma_wait3A_148 = arith.constant 0 : i32
    %dma_wait3A_149 = tpu.memref_slice %arg3[%dma_wait3A_147, %dma_wait3A_148] : memref<500x128xf32, #tpu.memory_space<hbm>> -> memref<500x128xf32, #tpu.memory_space<hbm>>
    tpu.wait_indirect_dma semaphore(%arg20 : memref<!tpu.dma_semaphore, #tpu.memory_space<semaphore_mem>>) src(%dma_wait3A_149 : memref<500x128xf32, #tpu.memory_space<hbm>>) dst(%arg16 : memref<128x128xf32, #tpu.memory_space<vmem>>)
    %scan3A_150 = arith.constant 0 : i32
    %scan3A_151 = arith.constant 0 : i32
    %scan3A_152 = arith.constant 128 : i32
    %scan3A_153 = arith.addi %scan3A_151, %scan3A_152 : i32
    %scan3A_154 = arith.constant 1 : i32
    scf.for %scan3A_158 = %scan3A_151 to %scan3A_153 step %scan3A_154  : i32 {
      %broadcast_in_dim3A = vector.broadcast %scan3A_158 : i32 to vector<16xi32>
      %add3A_159 = arith.constant 384 : i32
      %add3A_160 = arith.addi %add3A_159, %scan3A_158 : i32
      %broadcast_in_dim3A_161 = vector.broadcast %add3A_160 : i32 to vector<16xi32>
      %gather3A = tpu.vector_load_idx %arg11[%broadcast_in_dim3A_161] : memref<512xi32, #tpu.memory_space<vmem>>[vector<16xi32>], vector<16xi32>,
      %gather3A_162 = tpu.vector_load_idx %arg12[%broadcast_in_dim3A_161] : memref<512xi32, #tpu.memory_space<vmem>>[vector<16xi32>], vector<16xi32>,
      %gather3A_163 = tpu.vector_load_idx %arg13[%broadcast_in_dim3A_161] : memref<512xi32, #tpu.memory_space<vmem>>[vector<16xi32>], vector<16xi32>,
      %add3A_164 = arith.constant 0 : i32
      %add3A_165 = vector.broadcast %add3A_164 : i32 to vector<16xi32>
      %add3A_166 = arith.addi %iota3A, %add3A_165 : vector<16xi32>
      %add3A_167 = arith.addi %gather3A, %add3A_166 : vector<16xi32>
      %gather3A_168 = tpu.vector_load_idx %arg14[%broadcast_in_dim3A, %add3A_167] : memref<128x128xf32, #tpu.memory_space<vmem>>[vector<16xi32>, vector<16xi32>], vector<16xf32>,
      %add3A_169 = arith.addi %gather3A_162, %add3A_166 : vector<16xi32>
      %gather3A_170 = tpu.vector_load_idx %arg15[%broadcast_in_dim3A, %add3A_169] : memref<128x128xf32, #tpu.memory_space<vmem>>[vector<16xi32>, vector<16xi32>], vector<16xf32>,
      %add3A_171 = arith.addi %gather3A_163, %add3A_166 : vector<16xi32>
      %gather3A_172 = tpu.vector_load_idx %arg16[%broadcast_in_dim3A, %add3A_171] : memref<128x128xf32, #tpu.memory_space<vmem>>[vector<16xi32>, vector<16xi32>], vector<16xf32>,
      %add3A_173 = arith.addf %gather3A_168, %gather3A_172 : vector<16xf32>
      %sub3A = arith.subf %add3A_173, %gather3A_170 : vector<16xf32>
      %swap3A = arith.index_cast %scan3A_158 : i32 to index
      %swap3A_174 = arith.constant 0 : index
      %swap3A_175 = tpu.vector_load %arg17[%swap3A, %swap3A_174] {strides = array<i32>} : memref<128x64xf32, #tpu.memory_space<vmem>>, vector<16xf32>,
      tpu.vector_store %arg17[%swap3A, %swap3A_174], %sub3A {strides = array<i32>} : memref<128x64xf32, #tpu.memory_space<vmem>>, vector<16xf32>,
      %add3A_176 = arith.constant 16 : i32
      %add3A_177 = vector.broadcast %add3A_176 : i32 to vector<16xi32>
      %add3A_178 = arith.addi %iota3A, %add3A_177 : vector<16xi32>
      %add3A_179 = arith.addi %gather3A, %add3A_178 : vector<16xi32>
      %gather3A_180 = tpu.vector_load_idx %arg14[%broadcast_in_dim3A, %add3A_179] : memref<128x128xf32, #tpu.memory_space<vmem>>[vector<16xi32>, vector<16xi32>], vector<16xf32>,
      %add3A_181 = arith.addi %gather3A_162, %add3A_178 : vector<16xi32>
      %gather3A_182 = tpu.vector_load_idx %arg15[%broadcast_in_dim3A, %add3A_181] : memref<128x128xf32, #tpu.memory_space<vmem>>[vector<16xi32>, vector<16xi32>], vector<16xf32>,
      %add3A_183 = arith.addi %gather3A_163, %add3A_178 : vector<16xi32>
      %gather3A_184 = tpu.vector_load_idx %arg16[%broadcast_in_dim3A, %add3A_183] : memref<128x128xf32, #tpu.memory_space<vmem>>[vector<16xi32>, vector<16xi32>], vector<16xf32>,
      %add3A_185 = arith.addf %gather3A_180, %gather3A_184 : vector<16xf32>
      %sub3A_186 = arith.subf %add3A_185, %gather3A_182 : vector<16xf32>
      %swap3A_187 = arith.index_cast %scan3A_158 : i32 to index
      %swap3A_188 = arith.constant 16 : index
      %swap3A_189 = tpu.vector_load %arg17[%swap3A_187, %swap3A_188] {strides = array<i32>} : memref<128x64xf32, #tpu.memory_space<vmem>>, vector<16xf32>,
      tpu.vector_store %arg17[%swap3A_187, %swap3A_188], %sub3A_186 {strides = array<i32>} : memref<128x64xf32, #tpu.memory_space<vmem>>, vector<16xf32>,
      %add3A_190 = arith.constant 32 : i32
      %add3A_191 = vector.broadcast %add3A_190 : i32 to vector<16xi32>
      %add3A_192 = arith.addi %iota3A, %add3A_191 : vector<16xi32>
      %add3A_193 = arith.addi %gather3A, %add3A_192 : vector<16xi32>
      %gather3A_194 = tpu.vector_load_idx %arg14[%broadcast_in_dim3A, %add3A_193] : memref<128x128xf32, #tpu.memory_space<vmem>>[vector<16xi32>, vector<16xi32>], vector<16xf32>,
      %add3A_195 = arith.addi %gather3A_162, %add3A_192 : vector<16xi32>
      %gather3A_196 = tpu.vector_load_idx %arg15[%broadcast_in_dim3A, %add3A_195] : memref<128x128xf32, #tpu.memory_space<vmem>>[vector<16xi32>, vector<16xi32>], vector<16xf32>,
      %add3A_197 = arith.addi %gather3A_163, %add3A_192 : vector<16xi32>
      %gather3A_198 = tpu.vector_load_idx %arg16[%broadcast_in_dim3A, %add3A_197] : memref<128x128xf32, #tpu.memory_space<vmem>>[vector<16xi32>, vector<16xi32>], vector<16xf32>,
      %add3A_199 = arith.addf %gather3A_194, %gather3A_198 : vector<16xf32>
      %sub3A_200 = arith.subf %add3A_199, %gather3A_196 : vector<16xf32>
      %swap3A_201 = arith.index_cast %scan3A_158 : i32 to index
      %swap3A_202 = arith.constant 32 : index
      %swap3A_203 = tpu.vector_load %arg17[%swap3A_201, %swap3A_202] {strides = array<i32>} : memref<128x64xf32, #tpu.memory_space<vmem>>, vector<16xf32>,
      tpu.vector_store %arg17[%swap3A_201, %swap3A_202], %sub3A_200 {strides = array<i32>} : memref<128x64xf32, #tpu.memory_space<vmem>>, vector<16xf32>,
      %add3A_204 = arith.constant 48 : i32
      %add3A_205 = vector.broadcast %add3A_204 : i32 to vector<16xi32>
      %add3A_206 = arith.addi %iota3A, %add3A_205 : vector<16xi32>
      %add3A_207 = arith.addi %gather3A, %add3A_206 : vector<16xi32>
      %gather3A_208 = tpu.vector_load_idx %arg14[%broadcast_in_dim3A, %add3A_207] : memref<128x128xf32, #tpu.memory_space<vmem>>[vector<16xi32>, vector<16xi32>], vector<16xf32>,
      %add3A_209 = arith.addi %gather3A_162, %add3A_206 : vector<16xi32>
      %gather3A_210 = tpu.vector_load_idx %arg15[%broadcast_in_dim3A, %add3A_209] : memref<128x128xf32, #tpu.memory_space<vmem>>[vector<16xi32>, vector<16xi32>], vector<16xf32>,
      %add3A_211 = arith.addi %gather3A_163, %add3A_206 : vector<16xi32>
      %gather3A_212 = tpu.vector_load_idx %arg16[%broadcast_in_dim3A, %add3A_211] : memref<128x128xf32, #tpu.memory_space<vmem>>[vector<16xi32>, vector<16xi32>], vector<16xf32>,
      %add3A_213 = arith.addf %gather3A_208, %gather3A_212 : vector<16xf32>
      %sub3A_214 = arith.subf %add3A_213, %gather3A_210 : vector<16xf32>
      %swap3A_215 = arith.index_cast %scan3A_158 : i32 to index
      %swap3A_216 = arith.constant 48 : index
      %swap3A_217 = tpu.vector_load %arg17[%swap3A_215, %swap3A_216] {strides = array<i32>} : memref<128x64xf32, #tpu.memory_space<vmem>>, vector<16xf32>,
      tpu.vector_store %arg17[%swap3A_215, %swap3A_216], %sub3A_214 {strides = array<i32>} : memref<128x64xf32, #tpu.memory_space<vmem>>, vector<16xf32>,
    }
    %scan3A_155 = arith.constant 128 : i32
    %add3A_156 = arith.constant 384 : i32
    %add3A_157 = arith.addi %mul3A_2, %add3A_156 : i32
    "tpu.region"() ({
      %run_scoped3A = tpu.sem_alloc : memref<!tpu.dma_semaphore, #tpu.memory_space<semaphore_mem>>
      %dma_start3A_158 = arith.constant 0 : i32
      %dma_start3A_159 = tpu.memref_slice %arg7[%add3A_157, %dma_start3A_158] : memref<16384x64xf32, #tpu.memory_space<hbm>> -> memref<128x64xf32, #tpu.memory_space<hbm>>
      %dma_start3A_160 = arith.constant 0 : i32
      %dma_start3A_161 = tpu.memref_slice %arg7[%add3A_157, %dma_start3A_160] : memref<16384x64xf32, #tpu.memory_space<hbm>> -> memref<128x64xf32, #tpu.memory_space<hbm>>
      tpu.enqueue_dma source(%arg17 : memref<128x64xf32, #tpu.memory_space<vmem>>) target(%dma_start3A_161 : memref<128x64xf32, #tpu.memory_space<hbm>>) target_semaphore(%run_scoped3A : memref<!tpu.dma_semaphore, #tpu.memory_space<semaphore_mem>>)
      %dma_wait3A_162 = arith.constant 0 : i32
      %dma_wait3A_163 = tpu.memref_slice %arg7[%add3A_157, %dma_wait3A_162] : memref<16384x64xf32, #tpu.memory_space<hbm>> -> memref<128x64xf32, #tpu.memory_space<hbm>>
      %dma_wait3A_164 = arith.constant 0 : i32
      %dma_wait3A_165 = tpu.memref_slice %arg7[%add3A_157, %dma_wait3A_164] : memref<16384x64xf32, #tpu.memory_space<hbm>> -> memref<128x64xf32, #tpu.memory_space<hbm>>
      tpu.wait_dma2 semaphore(%run_scoped3A : memref<!tpu.dma_semaphore, #tpu.memory_space<semaphore_mem>>) src(%arg17 : memref<128x64xf32, #tpu.memory_space<vmem>>) dst(%dma_wait3A_165 : memref<128x64xf32, #tpu.memory_space<hbm>>)
      tpu.yield
    }) : () -> ()
    return
  }
}

</mosaic_0001>

<sc_bundles>
// kernel: kernel.3.cloned.1.call-start
scs
__scs_entry_jumppad:
0x0: {  	(pc) =	sbr.rel $0x88, $3  }
0x1: {  	(tag) =	ssettag $0x0;
	lr =	simm.s32 $0x1  }
0x2: {  	[smem:$0x3F9C] =	sst lr;
	_ =	strace $0xD0000000  }
0x3: {  	_ = 	snop  }
0x4: {  	_ = 	snop  }
0x5: {  	_ = 	snop  }
0x6: {  	_ = 	snop  }
0x7: {  	_ = 	snop  }
__scs_overlays_trampoline_lowered:
0x8: {  	[smem:$0x3FAB] =	sst s0  }
0x9: {  	[smem:$0x3FAC] =	sst s1  }
0xa: {  	[smem:$0x3FAD] =	sst s2  }
0xb: {  	[smem:$0x3FAE] =	sst s3  }
0xc: {  	[smem:$0x3FAF] =	sst s4  }
0xd: {  	[smem:$0x3FB0] =	sst s5  }
0xe: {  	[smem:$0x3FB1] =	sst s6  }
0xf: {  	[smem:$0x3FB2] =	sst s7  }
0x10: {  	[smem:$0x3FB3] =	sst s8  }
0x11: {  	[smem:$0x3FB4] =	sst s9;
	s0 =	simm.s32 @!p0 $0x0  }
0x12: {  	s1 =	sld [smem:$0x3F9A];
	s0 =	simm.s32 @p0 $0x1  }
0x13: {  	[smem:$0x3FB5] =	sst s0;
	s0 =	simm.s32 @!p1 $0x0  }
0x14: {  	s2 =	sld [smem:$0x3F99];
	s0 =	simm.s32 @p1 $0x1  }
0x15: {  	[smem:$0x3FB6] =	sst s0;
	s0 =	simm.s32 @!p2 $0x0  }
0x16: {  	s3 =	sld [smem:$0x3FDB];
	s0 =	simm.s32 @p2 $0x1  }
0x17: {  	s4 =	simm.s32 $0x1BF5;
	[smem:$0x3FB8] =	sst s0  }
0x18: {  	s0 =	sld [smem:$0x3F9B];
	_ =	swait.ge [sflag:s4], $0x0  }
0x19: {  	s7 =	sld [smem:$0x3F9C]  }
0x1a: {  	s8 =	sadd.s32 $0xFFFFE003, lr  }
0x1b: {  	s9 =	sadd.s32 $0xFFFFFEF7, lr;
	s5 =	simm.s32 $0xFFFFFFFF;
	p2 =	slt.u32 s8, $0xFFFFF086  }
0x1c: {  	p1 =	slt.u32 s9, $0xF7A;
	s5 =	simm.s32 @!p2 $0x0  }
0x1d: {  	s5 =	simm.s32 @p1 $0x1;
	p0 =	seq.s32 s7, s2  }
0x1e: {  	s7 =	smul.u32 @!p0 $0xF7A, s2;
	p2 =	seq.s32 @!p0 s5, $0x0  }
0x1f: {  	s9 =	smul.u32 $0xF7A, s1;
	s8 =	simm.s32 @!p0 $0x1BF5;
	p2 =	por !p2, p0  }
0x20: {  	[sflag:s8] =	ssyncset.s32 @!p0 $0xFFFFF086;
	s6 =	sadd.s32 @!p0 s3, s7;
	s7 =	simm.s32 @!p0 $0x108  }
0x21: {  	s3 =	sadd.s32 s3, s9;
	s6 =	sadd.s32 @!p0 $0x88, s6;
	s7 =	simm.s32 @p2 $0x1082  }
0x22: {  	[simem:s7], [sflag:s8] =	dma.local @!p0 [hbm:s6], $0xF7A  }
0x23: {  	s9 =	sor.u32 $0xD0000000, s2;
	s6 =	simm.s32 $0x108;
	_ =	swait.ge @!p0 [sflag:s8], $0x0  }
0x24: {  	s3 =	sadd.s32 $0x88, s3;
	s6 =	simm.s32 @!p1 $0x1082;
	[sflag:s4] =	ssyncset.s32 $0xFFFFF086  }
0x25: {  	[simem:s6], [sflag:s4] =	dma.local [hbm:s3], $0xF7A  }
0x26: {  	[smem:$0x3F9C] =	sst s1;
	(tag) =	ssettag s2;
	_ =	strace s9  }
0x27: {  	s1 =	sld [smem:$0x3FAC]  }
0x28: {  	s2 =	sld [smem:$0x3FAD]  }
0x29: {  	s4 =	sld [smem:$0x3FAF]  }
0x2a: {  	p0 =	seq.s32 s5, $0x0;
	s5 =	sld [smem:$0x3FB0]  }
0x2b: {  	s6 =	sld [smem:$0x3FB1]  }
0x2c: {  	s7 =	sld [smem:$0x3FB2]  }
0x2d: {  	s3 =	simm.s32 $0x108;
	s8 =	sld [smem:$0x3FB3]  }
0x2e: {  	s3 =	simm.s32 @!p0 $0x1082;
	s9 =	sld [smem:$0x3FB4]  }
0x2f: {  	lr =	sadd.s32 s0, s3;
	s0 =	sld [smem:$0x3FAB]  }
0x30: {  	s3 =	sld [smem:$0x3FAE]  }
0x31: {  	[smem:$0x3FB7] =	sst s10  }
0x32: {  	s10 =	sld [smem:$0x3FB5];
	_ =	sdelay $0x3  }
0x33: {  	p0 =	seq.s32 s10, $0x1;
	s10 =	sld [smem:$0x3FB7];
	_ =	sdelay $0x3  }
0x34: {  	[smem:$0x3FB7] =	sst s10  }
0x35: {  	s10 =	sld [smem:$0x3FB6];
	_ =	sdelay $0x3  }
0x36: {  	p1 =	seq.s32 s10, $0x1;
	s10 =	sld [smem:$0x3FB7];
	_ =	sdelay $0x3  }
0x37: {  	[smem:$0x3FB7] =	sst s10  }
0x38: {  	s10 =	sld [smem:$0x3FB8]  }
0x39: {  	_ = 	snop;
	(pc) =	sbr.ind lr, $3  }
0x3a: {  	_ = 	snop  }
0x3b: {  	_ = 	snop  }
0x3c: {  	p2 =	seq.s32 s10, $0x1;
	s10 =	sld [smem:$0x3FB7]  }
0x3d: {  	_ =	shalt  }
0x3e: {  	_ =	shalt  }
0x3f: {  	_ =	shalt  }
0x40: {  	_ =	shalt  }
0x41: {  	_ =	shalt  }
0x42: {  	_ =	shalt  }
0x43: {  	_ =	shalt  }
0x44: {  	_ =	shalt  }
0x45: {  	_ =	shalt  }
0x46: {  	_ =	shalt  }
0x47: {  	_ =	shalt  }
0x48: {  	_ =	shalt  }
0x49: {  	_ =	shalt  }
0x4a: {  	_ =	shalt  }
0x4b: {  	_ =	shalt  }
0x4c: {  	_ =	shalt  }
0x4d: {  	_ =	shalt  }
0x4e: {  	_ =	shalt  }
0x4f: {  	_ =	shalt  }
0x50: {  	_ =	shalt  }
0x51: {  	_ =	shalt  }
0x52: {  	_ =	shalt  }
0x53: {  	_ =	shalt  }
0x54: {  	_ =	shalt  }
0x55: {  	_ =	shalt  }
0x56: {  	_ =	shalt  }
0x57: {  	_ =	shalt  }
0x58: {  	_ =	shalt  }
0x59: {  	_ =	shalt  }
0x5a: {  	_ =	shalt  }
0x5b: {  	_ =	shalt  }
0x5c: {  	_ =	shalt  }
0x5d: {  	_ =	shalt  }
0x5e: {  	_ =	shalt  }
0x5f: {  	_ =	shalt  }
0x60: {  	_ =	shalt  }
0x61: {  	_ =	shalt  }
0x62: {  	_ =	shalt  }
0x63: {  	_ =	shalt  }
0x64: {  	_ =	shalt  }
0x65: {  	_ =	shalt  }
0x66: {  	_ =	shalt  }
0x67: {  	_ =	shalt  }
0x68: {  	_ =	shalt  }
0x69: {  	_ =	shalt  }
0x6a: {  	_ =	shalt  }
0x6b: {  	_ =	shalt  }
0x6c: {  	_ =	shalt  }
0x6d: {  	_ =	shalt  }
0x6e: {  	_ =	shalt  }
0x6f: {  	_ =	shalt  }
0x70: {  	_ =	shalt  }
0x71: {  	_ =	shalt  }
0x72: {  	_ =	shalt  }
0x73: {  	_ =	shalt  }
0x74: {  	_ =	shalt  }
0x75: {  	_ =	shalt  }
0x76: {  	_ =	shalt  }
0x77: {  	_ =	shalt  }
0x78: {  	_ =	shalt  }
0x79: {  	_ =	shalt  }
0x7a: {  	_ =	shalt  }
0x7b: {  	_ =	shalt  }
0x7c: {  	_ =	shalt  }
0x7d: {  	_ =	shalt  }
0x7e: {  	_ =	shalt  }
0x7f: {  	_ =	shalt  }
0x80: {  	_ =	shalt  }
0x81: {  	_ =	shalt  }
0x82: {  	_ =	shalt  }
0x83: {  	_ =	shalt  }
0x84: {  	_ =	shalt  }
0x85: {  	_ =	shalt  }
0x86: {  	_ =	shalt  }
0x87: {  	_ =	shalt  }
.Lfunc_end0:
.L_simem_size_0:
called_computation_lowered:
.L_overlay_start_0:
0x88: {  	s2 =	sld [smem:$0x3FD9]  }
0x89: {  	s3 =	sld [smem:$0x3FFE];
	_ =	sdelay $0x1  }
0x8a: {  	s1 =	srdreg.scid  }
0x8b: {  	s0 =	sand.u32 $0x1, s1  }
0x8c: {  	s17 =	sshll.u32 s0, $0xA;
	s2 =	sadd.s32 s3, s2  }
0x8d: {  	s2 =	sadd.s32 s2, s17  }
0x8e: {  	[smem:$0x3FC3] =	sst s2  }
0x8f: {  	_ = 	snop  }
0x90: {  	s2 =	sld [smem:$0x3FC7]  }
0x91: {  	s18 =	sld [smem:$0x3FC6]  }
0x92: {  	s4 =	sld [smem:$0x3FC5]  }
0x93: {  	s5 =	sld [smem:$0x3FD0];
	(tm) =	ssettm $0x1  }
0x94: {  	s6 =	sld [smem:$0x3FFB];
	_ =	sdelay $0x3  }
0x95: {  	_ =	strace s6  }
0x96: {  	s6 =	sld [smem:$0x3FFC];
	_ =	sdelay $0x3  }
0x97: {  	_ =	strace s6  }
0x98: {  	s6 =	sld [smem:$0x3FFD];
	_ =	sdelay $0x3  }
0x99: {  	_ =	strace s6  }
0x9a: {  	_ =	strace $0x8FFFFFFF  }
0x9b: {  	s19 =	sld [smem:$0x3FDB];
	_ =	sdelay $0x1  }
0x9c: {  	s7 =	simm.s32 $_scs_section_size  }
0x9d: {  	s8 =	simm.s32 $_size__tile_overlayer_lowered;
	s9 =	simm.s32 $_tile_overlayer_lowered  }
0x9e: {  	s22 =	simm.s32 $0x1BFF;
	s21 =	sshll.u32 s9, $0x1;
	s6 =	sadd.s32 s7, s19  }
0x9f: {  	s10 =	simm.s32 $0x0;
	s20 =	sshll.u32 s8, $0x1;
	s8 =	sadd.s32 s21, s6  }
0xa0: {  	[timem:s10], [sflag:s22] =	dma.local [hbm:s8], s20  }
0xa1: {  	_ =	swait.ge [sflag:s22], s20  }
0xa2: {  	s7 =	ssub.s32 $0x0, s20;
	[sflag:s22] =	ssyncset.done $0x0  }
0xa3: {  	[sflag:s22] =	ssyncadd.s32 s7;
	_ =	sdelay $0x1  }
0xa4: {  	s23 =	simm.s32 $0x1B8B  }
0xa5: {  	_ =	swait.ge [sflag:s23], $0x1  }
0xa6: {  	[sflag:s23] =	ssyncset.done $0x0  }
0xa7: {  	s25 =	simm.s32 $0x1B8E;
	s24 =	sld [smem:$0x3FFE];
	[sflag:s23] =	ssyncadd.s32 $0xFFFFFFFF  }
0xa8: {  	s26 =	simm.s32 $execute0_lowered;
	[smem:$0x3FD2] =	sst s25  }
0xa9: {  	s8 =	sshll.u32 s26, $0x1;
	_ =	strace $0x80000046;
	[dreg:$0x1] =	wrdreg $0xFFFFFFFF  }
0xaa: {  	s28 =	simm.s32 $_size_execute0_lowered;
	s6 =	sadd.s32 s6, s8;
	[dreg:$0x0] =	wrdreg $0x0  }
0xab: {  	s8 =	sshll.u32 s28, $0x1;
	[dreg:$0x2] =	wrdreg s6  }
0xac: {  	[dreg:$0x3] =	wrdreg s8  }
0xad: {  	[dreg:$0x4] =	wrdreg $0xC0  }
0xae: {  	_ =	task [dreg:s10], $0x5FFFF  }
0xaf: {  	[dreg:$0x1] =	wrdreg $0xFFFFFFFF  }
0xb0: {  	[dreg:$0x0] =	wrdreg $0x60  }
0xb1: {  	[dreg:$0x2] =	wrdreg s24  }
0xb2: {  	[dreg:$0x3] =	wrdreg s5  }
0xb3: {  	[dreg:$0x4] =	wrdreg s2  }
0xb4: {  	[dreg:$0x5] =	wrdreg s18  }
0xb5: {  	[dreg:$0x6] =	wrdreg s4  }
0xb6: {  	[dreg:$0x7] =	wrdreg $0x9  }
0xb7: {  	_ =	task.clear_ibuf [dreg:s10], $0x8FFFF;
	_ =	strace $0x90000046  }
0xb8: {  	s29 =	simm.s32 $0x9;
	_ =	strace $0x80000048  }
0xb9: {  	_ =	swait.ge [sflag:s29], $0x1  }
0xba: {  	[sflag:s29] =	ssyncadd.s32 $0xFFFFFFFF  }
0xbb: {  	_ =	strace $0x90000048  }
0xbc: {  	_ =	sfence  }
0xbd: {  	s30 =	sld [smem:$0x0];
	_ =	sdelay $0x2  }
0xbe: {  	s31 =	sshll.u32 s1, $0xD;
	s1 =	sshrl.u32 s1, $0x2  }
0xbf: {  	s3 =	sand.u32 $0x4000, s31;
	s1 =	sadd.s32 s1, s30  }
0xc0: {  	s0 =	sor.u32 s3, s0;
	s1 =	sshll.u32 s1, $0x11  }
0xc1: {  	s0 =	sor.u32 s1, s0  }
0xc2: {  	s0 =	sadd.s32 $0x8F2B, s0  }
0xc3: {  	[sflag:s0] =	ssyncadd.remote.s32 $0x1  }
0xc4: {  	_ =	sfence.sel $0xFFFF  }
0xc5: {  	[dreg:$0x0] =	wrdreg $0xFFFFFFFF;
	(pc) =	sbr.abs _section_cstart, $3  }
0xc6: {  	[dreg:$0x1] =	wrdreg $0xFFFFFFFF  }
0xc7: {  	_ =	task.clear_ibuf [dreg:s10], $0x2FFFF;
	_ =	strace $0x9FFFFFFF  }
0xc8: {  	(tm) =	ssettm $0x7FFFFFFF  }
0xc9: {  	_ =	shalt  }
tec
execute0_lowered:
.L_overlay_start_1:
0x0: {  	(tag) =	ssettag $0x1  }
0x1: {  	s0 =	rddreg [dreg:$0x0]  }
0x2: {  	s1 =	rddreg [dreg:$0x1]  }
0x3: {  	s2 =	rddreg [dreg:$0x2]  }
0x4: {  	s6 =	rddreg [dreg:$0x3]  }
0x5: {  	s7 =	rddreg [dreg:$0x4]  }
0x6: {  	s3 =	simm.s32 $0x0;
	s4 =	srdreg.scid;
	s8 =	stileid.u32  }
0x7: {  	s13 =	simm.s32 $0x4;
	s14 =	simm.s32 $0x200;
	s15 =	simm.s32 $0x400  }
0x8: {  	s16 =	simm.s32 $0x80;
	s17 =	simm.s32 $0xC00;
	s18 =	simm.s32 $0x4C00  }
0x9: {  	s19 =	simm.s32 $0x8C00;
	s20 =	simm.s32 $0x1;
	s21 =	simm.s32 $0x2  }
0xa: {  	s22 =	simm.s32 $0x3;
	s23 =	simm.s32 $0x600;
	s24 =	simm.s32 $0x800  }
0xb: {  	s25 =	simm.s32 $0xA00;
	s26 =	simm.s32 $0xCC00;
	s30 =	simm.s32 $0x0  }
0xc: {  	[smem:$0x7FF] =	sst s3;
	s5 =	sand.u32 $0x1, s4;
	s8 =	sshll.u32 s8, $0xA  }
0xd: {  	s4 =	sadd.s32 $0xF42A00, s0;
	s9 =	sshll.u32 s5, $0x9;
	s5 =	ssub.s32 $0x2, s5  }
0xe: {  	_ =	strace $0x80000047;
	s8 =	sor.u32 s9, s8;
	s10 =	sshrl.u32 s5, $0x1  }
0xf: {  	s9 =	sshll.u32 s8, $0x4;
	s8 =	sshrl.u32 s8, $0x3;
	s12 =	ssub.s32 s5, s10  }
0x10: {  	s0 =	sadd.s32 s9, s0;
	s5 =	sadd.s32 s2, s8;
	s6 =	sadd.s32 s6, s8  }
0x11: {  	v0 =	vlaneseq.u32;
	s7 =	sadd.s32 s7, s8;
	s12 =	smax.u32 s12, $0x1;
	s8 =	sadd.s32 $0x600, s0  }
0x12: {  	v1 =	vor.u32 $0x10, v0;
	v2 =	vor.u32 $0x20, v0;
	v3 =	vor.u32 $0x30, v0;
	s9 =	sadd.s32 $0xE00, s0;
	s10 =	sadd.s32 $0x1600, s0;
	s11 =	sadd.s32 $0x1E00, s0  }
.LBB2_1:
0x13: {  	[tilespmem:s3], [sflag:$0x4] =	stream.linear.gather [hbm4b:s5+s3], $0x200, $0x38;
	[tilespmem:$0x10C00] =	vst v63  }
0x14: {  	_ =	swait.ge [sflag:s13], $0x200  }
0x15: {  	[sflag:s13] =	ssyncset.done $0x0  }
0x16: {  	[sflag:s13] =	ssyncadd.s32 $0xFFFFFE00  }
0x17: {  	[tilespmem:s14], [sflag:$0x4] =	stream.linear.gather [hbm4b:s6+s3], $0x200, $0x38;
	[tilespmem:$0x10C00] =	vst v63  }
0x18: {  	_ =	swait.ge [sflag:s13], $0x200  }
0x19: {  	[sflag:s13] =	ssyncset.done $0x0  }
0x1a: {  	[sflag:s13] =	ssyncadd.s32 $0xFFFFFE00  }
0x1b: {  	[tilespmem:s15], [sflag:$0x4] =	stream.linear.gather [hbm4b:s7+s3], $0x200, $0x38;
	[tilespmem:$0x10C00] =	vst v63  }
0x1c: {  	_ =	swait.ge [sflag:s13], $0x200  }
0x1d: {  	[sflag:s13] =	ssyncset.done $0x0  }
0x1e: {  	s2 =	simm.s32 $0x0;
	[sflag:s13] =	ssyncadd.s32 $0xFFFFFE00  }
0x1f: {  	v4 =	vld [tilespmem:s2+$0x0]  }
0x20: {  	v6 =	vld [tilespmem:s2+$0x200]  }
0x21: {  	v8 =	vld [tilespmem:s2+$0x400];
	_ =	sdelay $0x2  }
0x22: {  	v5 =	vshrl.u32 v4, $0x1;
	v4 =	vshll.u32 v4, $0x6  }
0x23: {  	s0 =	simm.s32 $0x10;
	v7 =	vshll.u32 v6, $0x6;
	v9 =	vshrl.u32 v6, $0x1;
	[tilespmem:s2+$0x0] =	vst v5;
	v5 =	vand.u32 $0x40, v4  }
0x24: {  	s28 =	simm.s32 $0x80;
	v6 =	vand.u32 $0x40, v7;
	v7 =	vshll.u32 v8, $0x6;
	v8 =	vshrl.u32 v8, $0x1;
	v4 =	vld [tilespmem:s0+$0x0];
	[tilespmem:s2+$0x200] =	vst v9  }
.LBB2_2:
0x25: {  	p0 =	sne.s32 s28, $0x7C0;
	v9 =	vld [tilespmem:s0+$0x200];
	v7 =	vand.u32 $0x40, v7;
	[tilespmem:s2+$0x400] =	vst v8  }
0x26: {  	v8 =	vld [tilespmem:s0+$0x400];
	[tilespmem:s2+$0x600] =	vst v5  }
.Ltmp0:
0x27: {  	[tilespmem:s2+$0x800] =	vst v6;
	(pc) =	sbr.rel @p0 .LBB2_2-.Ltmp0, $4  }
0x28: {  	[tilespmem:s2+$0xA00] =	vst v7;
	s2 =	smov.u32 s0  }
0x29: {  	v5 =	vshll.u32 v4, $0x6;
	v4 =	vshrl.u32 v4, $0x1  }
0x2a: {  	s0 =	sshra.s32 s28, $0x2;
	v5 =	vand.u32 $0x40, v5;
	[tilespmem:s2+$0x0] =	vst v4;
	v6 =	vshll.u32 v9, $0x6;
	v7 =	vshrl.u32 v9, $0x1  }
0x2b: {  	s28 =	sadd.s32 $0x40, s28;
	v4 =	vld [tilespmem:s0+$0x0];
	v6 =	vand.u32 $0x40, v6;
	[tilespmem:s2+$0x200] =	vst v7;
	v7 =	vshll.u32 v8, $0x6;
	v8 =	vshrl.u32 v8, $0x1  }
0x2c: {  	v9 =	vld [tilespmem:s0+$0x200]  }
0x2d: {  	[tilespmem:s2+$0x400] =	vst v8  }
0x2e: {  	v8 =	vld [tilespmem:s0+$0x400];
	[tilespmem:s2+$0x600] =	vst v5  }
0x2f: {  	v5 =	vand.u32 $0x40, v7;
	[tilespmem:s2+$0x800] =	vst v6  }
0x30: {  	[tilespmem:s2+$0xA00] =	vst v5;
	v5 =	vshrl.u32 v4, $0x1  }
0x31: {  	v4 =	vshll.u32 v4, $0x6;
	[tilespmem:s0+$0x0] =	vst v5;
	v5 =	vshrl.u32 v9, $0x1  }
0x32: {  	v4 =	vand.u32 $0x40, v4;
	[tilespmem:s0+$0x200] =	vst v5  }
0x33: {  	v6 =	vshll.u32 v9, $0x6;
	v5 =	vshrl.u32 v8, $0x1;
	[tilespmem:s0+$0x600] =	vst v4  }
0x34: {  	[tilespmem:s0+$0x400] =	vst v5;
	v5 =	vand.u32 $0x40, v6;
	v6 =	vshll.u32 v8, $0x6  }
0x35: {  	v4 =	vand.u32 $0x40, v6;
	[tilespmem:s0+$0x800] =	vst v5  }
0x36: {  	s29 =	simm.s32 $0x0;
	[tilespmem:s0+$0xA00] =	vst v4  }
0x37: {  	[tilespmem:s17], [sflag:$0x1] =	stream.indirect.gather [hbm4b:s4+s16], $0x80, s29, s16, $0xb8;
	[tilespmem:$0x10C00] =	vst v63  }
0x38: {  	_ = 	snop  }
0x39: {  	[tilespmem:s18], [sflag:$0x2] =	stream.indirect.gather [hbm4b:s4+s16], $0x80, s14, s16, $0xb8;
	[tilespmem:$0x10C00] =	vst v63  }
0x3a: {  	_ = 	snop  }
0x3b: {  	[tilespmem:s19], [sflag:$0x3] =	stream.indirect.gather [hbm4b:s1+s16], $0x80, s15, s16, $0xb8;
	[tilespmem:$0x10C00] =	vst v63  }
0x3c: {  	_ =	swait.ge [sflag:s20], $0x4000  }
0x3d: {  	[sflag:s20] =	ssyncset.done $0x0  }
0x3e: {  	[sflag:s20] =	ssyncadd.s32 $0xFFFFC000  }
0x3f: {  	_ =	swait.ge [sflag:s21], $0x4000  }
0x40: {  	v4 =	vmov s29;
	[sflag:s21] =	ssyncset.done $0x0  }
0x41: {  	[sflag:s21] =	ssyncadd.s32 $0xFFFFC000  }
0x42: {  	_ =	swait.ge [sflag:s22], $0x4000  }
0x43: {  	[sflag:s22] =	ssyncset.done $0x0  }
0x44: {  	[sflag:s22] =	ssyncadd.s32 $0xFFFFC000  }
0x45: {  	v5 =	vld.idx.msk [tilespmem:v4+s23+$0x0], $0xffff  }
0x46: {  	v6 =	vld.idx.msk [tilespmem:v4+s25+$0x0], $0xffff  }
0x47: {  	v7 =	vld.idx.msk [tilespmem:v4+s24+$0x0], $0xffff;
	_ =	sdelay $0x3  }
0x48: {  	v4 =	vshll.u32 v4, $0x7;
	v8 =	vadd.s32 v0, v5  }
0x49: {  	v10 =	vadd.s32 v0, v6;
	v43 =	vadd.s32 v0, v7;
	v42 =	vand.u32 $0xFFFFFF80, v8  }
0x4a: {  	v8 =	vand.u32 $0x7F, v8;
	v11 =	vand.u32 $0xFFFFFF80, v10;
	v9 =	vadd.s32 v4, v42  }
0x4b: {  	v10 =	vand.u32 $0x7F, v10;
	v11 =	vadd.s32 v4, v11;
	v8 =	vor.u32 v8, v9  }
0x4c: {  	v12 =	vand.u32 $0xFFFFFF80, v43;
	v10 =	vor.u32 v10, v11  }
0x4d: {  	v44 =	vadd.s32 v4, v12;
	v9 =	vand.u32 $0x7F, v43  }
0x4e: {  	v9 =	vor.u32 v9, v44;
	_ =	sdelay $0x1  }
0x4f: {  	v8 =	vld.idx.msk [tilespmem:v8+s17+$0x0], $0xffff  }
0x50: {  	v10 =	vld.idx.msk [tilespmem:v10+s19+$0x0], $0xffff;
	_ =	sdelay $0x1  }
0x51: {  	v45 =	vadd.s32 v1, v5;
	v13 =	vadd.s32 v1, v6;
	v9 =	vld.idx.msk [tilespmem:v9+s18+$0x0], $0xffff  }
0x52: {  	v15 =	vadd.s32 v1, v7;
	v46 =	vand.u32 $0xFFFFFF80, v45;
	v14 =	vand.u32 $0xFFFFFF80, v13  }
0x53: {  	v13 =	vand.u32 $0x7F, v13;
	v12 =	vadd.s32 v4, v46;
	v11 =	vand.u32 $0x7F, v45  }
0x54: {  	v14 =	vadd.s32 v4, v14;
	v47 =	vor.u32 v11, v12;
	v8 =	vadd.f32 v10, v8  }
0x55: {  	v48 =	vand.u32 $0xFFFFFF80, v15;
	v49 =	vor.u32 v13, v14  }
0x56: {  	v50 =	vand.u32 $0x7F, v15;
	v11 =	vadd.s32 v4, v48;
	v8 =	vsub.f32 v8, v9  }
0x57: {  	s31 =	simm.s32 $0xCC20;
	v9 =	vor.u32 v50, v11  }
0x58: {  	[tilespmem:s31+$0xFFFFFFE0] =	vst v8  }
0x59: {  	v8 =	vld.idx.msk [tilespmem:v47+s17+$0x0], $0xffff  }
0x5a: {  	v51 =	vld.idx.msk [tilespmem:v49+s19+$0x0], $0xffff;
	_ =	sdelay $0x1  }
0x5b: {  	v52 =	vadd.s32 v2, v5;
	v54 =	vadd.s32 v2, v6;
	v9 =	vld.idx.msk [tilespmem:v9+s18+$0x0], $0xffff  }
0x5c: {  	v55 =	vadd.s32 v2, v7;
	v53 =	vand.u32 $0xFFFFFF80, v52;
	v56 =	vand.u32 $0xFFFFFF80, v54  }
0x5d: {  	v57 =	vand.u32 $0x7F, v54;
	v12 =	vadd.s32 v4, v53;
	v11 =	vand.u32 $0x7F, v52  }
0x5e: {  	v11 =	vor.u32 v11, v12;
	v12 =	vadd.s32 v4, v56;
	v8 =	vadd.f32 v51, v8  }
0x5f: {  	v58 =	vand.u32 $0xFFFFFF80, v55;
	v10 =	vor.u32 v57, v12  }
0x60: {  	v60 =	vand.u32 $0x7F, v55;
	v59 =	vadd.s32 v4, v58;
	v8 =	vsub.f32 v8, v9  }
0x61: {  	v9 =	vor.u32 v60, v59  }
0x62: {  	[tilespmem:s31+$0xFFFFFFF0] =	vst v8  }
0x63: {  	v8 =	vld.idx.msk [tilespmem:v11+s17+$0x0], $0xffff  }
0x64: {  	v10 =	vld.idx.msk [tilespmem:v10+s19+$0x0], $0xffff;
	_ =	sdelay $0x1  }
0x65: {  	v7 =	vadd.s32 v3, v7;
	v5 =	vadd.s32 v3, v5;
	v6 =	vadd.s32 v3, v6;
	v9 =	vld.idx.msk [tilespmem:v9+s18+$0x0], $0xffff  }
0x66: {  	v61 =	vand.u32 $0xFFFFFF80, v7;
	v62 =	vand.u32 $0xFFFFFF80, v5;
	v63 =	vand.u32 $0xFFFFFF80, v6  }
0x67: {  	v5 =	vand.u32 $0x7F, v5;
	v6 =	vand.u32 $0x7F, v6;
	v12 =	vadd.s32 v4, v62  }
0x68: {  	v13 =	vadd.s32 v4, v63;
	v5 =	vor.u32 v5, v12;
	v8 =	vadd.f32 v10, v8  }
0x69: {  	v7 =	vand.u32 $0x7F, v7;
	v6 =	vor.u32 v6, v13;
	v4 =	vadd.s32 v4, v61  }
0x6a: {  	v7 =	vor.u32 v7, v4;
	v8 =	vsub.f32 v8, v9;
	_ =	sdelay $0x1  }
0x6b: {  	[tilespmem:s31+$0x0] =	vst v8  }
0x6c: {  	v4 =	vld.idx.msk [tilespmem:v5+s17+$0x0], $0xffff  }
0x6d: {  	v5 =	vld.idx.msk [tilespmem:v6+s19+$0x0], $0xffff  }
0x6e: {  	s28 =	simm.s32 $0x2;
	s2 =	simm.s32 $0x1;
	s0 =	simm.s32 $0xCC20;
	v6 =	vld.idx.msk [tilespmem:v7+s18+$0x0], $0xffff  }
.LBB2_4:
0x6f: {  	_ = 	snop  }
0x70: {  	p0 =	sne.s32 s28, $0x7F  }
0x71: {  	v7 =	vmov s2;
	s31 =	sadd.s32 $0x80, s31;
	s2 =	smov.u32 s28;
	s28 =	sadd.s32 $0x1, s28  }
0x72: {  	v4 =	vadd.f32 v5, v4;
	_ =	sdelay $0x1  }
0x73: {  	v4 =	vsub.f32 v4, v6;
	_ =	sdelay $0x1  }
0x74: {  	[tilespmem:s0+$0x10] =	vst v4;
	s0 =	smov.u32 s31  }
0x75: {  	v4 =	vld.idx.msk [tilespmem:v7+s23+$0x0], $0xffff  }
0x76: {  	v5 =	vld.idx.msk [tilespmem:v7+s25+$0x0], $0xffff;
	_ =	sdelay $0x1  }
0x77: {  	v6 =	vld.idx.msk [tilespmem:v7+s24+$0x0], $0xffff;
	_ =	sdelay $0x2  }
0x78: {  	v7 =	vshll.u32 v7, $0x7;
	v8 =	vadd.s32 v0, v4;
	v9 =	vadd.s32 v1, v4  }
0x79: {  	v10 =	vand.u32 $0xFFFFFF80, v8;
	v8 =	vand.u32 $0x7F, v8;
	v11 =	vadd.s32 v0, v5  }
0x7a: {  	v10 =	vadd.s32 v7, v10;
	v12 =	vand.u32 $0xFFFFFF80, v11;
	v11 =	vand.u32 $0x7F, v11  }
0x7b: {  	v8 =	vor.u32 v8, v10;
	v10 =	vadd.s32 v0, v6;
	v12 =	vadd.s32 v7, v12  }
0x7c: {  	v13 =	vand.u32 $0xFFFFFF80, v10;
	v11 =	vor.u32 v11, v12;
	v12 =	vand.u32 $0xFFFFFF80, v9  }
0x7d: {  	v14 =	vadd.s32 v1, v5;
	v10 =	vand.u32 $0x7F, v10;
	v13 =	vadd.s32 v7, v13  }
0x7e: {  	v12 =	vadd.s32 v7, v12;
	v10 =	vor.u32 v10, v13;
	v13 =	vand.u32 $0xFFFFFF80, v14  }
0x7f: {  	v15 =	vadd.s32 v1, v6;
	v14 =	vand.u32 $0x7F, v14;
	v13 =	vadd.s32 v7, v13  }
0x80: {  	v16 =	vand.u32 $0xFFFFFF80, v15;
	v13 =	vor.u32 v14, v13;
	v14 =	vadd.s32 v2, v4;
	v8 =	vld.idx.msk [tilespmem:v8+s17+$0x0], $0xffff  }
0x81: {  	v16 =	vadd.s32 v7, v16;
	v17 =	vand.u32 $0xFFFFFF80, v14;
	v14 =	vand.u32 $0x7F, v14;
	v11 =	vld.idx.msk [tilespmem:v11+s19+$0x0], $0xffff  }
0x82: {  	v19 =	vadd.s32 v2, v5;
	v18 =	vadd.s32 v2, v6;
	v17 =	vadd.s32 v7, v17  }
0x83: {  	v20 =	vand.u32 $0xFFFFFF80, v19;
	v14 =	vor.u32 v14, v17;
	v17 =	vand.u32 $0xFFFFFF80, v18;
	v10 =	vld.idx.msk [tilespmem:v10+s18+$0x0], $0xffff  }
0x84: {  	v20 =	vadd.s32 v7, v20;
	v6 =	vadd.s32 v3, v6;
	v17 =	vadd.s32 v7, v17  }
0x85: {  	v5 =	vadd.s32 v3, v5;
	v21 =	vand.u32 $0xFFFFFF80, v6;
	v4 =	vadd.s32 v3, v4  }
0x86: {  	v9 =	vand.u32 $0x7F, v9;
	v21 =	vadd.s32 v7, v21;
	v22 =	vand.u32 $0xFFFFFF80, v4  }
0x87: {  	v9 =	vor.u32 v9, v12;
	v8 =	vadd.f32 v11, v8;
	v11 =	vadd.s32 v7, v22  }
0x88: {  	v12 =	vand.u32 $0xFFFFFF80, v5  }
0x89: {  	v7 =	vadd.s32 v7, v12;
	v8 =	vsub.f32 v8, v10;
	v10 =	vand.u32 $0x7F, v15  }
0x8a: {  	v10 =	vor.u32 v10, v16  }
0x8b: {  	[tilespmem:s31+$0xFFFFFFE0] =	vst v8  }
0x8c: {  	v8 =	vld.idx.msk [tilespmem:v9+s17+$0x0], $0xffff  }
0x8d: {  	v9 =	vld.idx.msk [tilespmem:v13+s19+$0x0], $0xffff;
	_ =	sdelay $0x1  }
0x8e: {  	v10 =	vld.idx.msk [tilespmem:v10+s18+$0x0], $0xffff;
	_ =	sdelay $0x3  }
0x8f: {  	v8 =	vadd.f32 v9, v8;
	v9 =	vand.u32 $0x7F, v19  }
0x90: {  	v9 =	vor.u32 v9, v20  }
0x91: {  	v8 =	vsub.f32 v8, v10;
	v10 =	vand.u32 $0x7F, v18  }
0x92: {  	v10 =	vor.u32 v10, v17  }
0x93: {  	[tilespmem:s31+$0xFFFFFFF0] =	vst v8  }
0x94: {  	v8 =	vld.idx.msk [tilespmem:v14+s17+$0x0], $0xffff  }
0x95: {  	v9 =	vld.idx.msk [tilespmem:v9+s19+$0x0], $0xffff;
	_ =	sdelay $0x1  }
0x96: {  	v10 =	vld.idx.msk [tilespmem:v10+s18+$0x0], $0xffff;
	_ =	sdelay $0x2  }
0x97: {  	v4 =	vand.u32 $0x7F, v4  }
0x98: {  	v5 =	vand.u32 $0x7F, v5;
	v4 =	vor.u32 v4, v11;
	v8 =	vadd.f32 v9, v8  }
0x99: {  	v6 =	vand.u32 $0x7F, v6;
	v5 =	vor.u32 v5, v7  }
0x9a: {  	v6 =	vor.u32 v6, v21;
	v7 =	vsub.f32 v8, v10  }
.Ltmp1:
0x9b: {  	(pc) =	sbr.rel @p0 .LBB2_4-.Ltmp1, $4  }
0x9c: {  	[tilespmem:s31+$0x0] =	vst v7  }
0x9d: {  	v4 =	vld.idx.msk [tilespmem:v4+s17+$0x0], $0xffff  }
0x9e: {  	v5 =	vld.idx.msk [tilespmem:v5+s19+$0x0], $0xffff  }
0x9f: {  	v6 =	vld.idx.msk [tilespmem:v6+s18+$0x0], $0xffff  }
0xa0: {  	_ =	sdelay $0x2  }
0xa1: {  	v7 =	vmov s2;
	v4 =	vadd.f32 v5, v4;
	_ =	sdelay $0x1  }
0xa2: {  	v4 =	vsub.f32 v4, v6;
	_ =	sdelay $0x1  }
0xa3: {  	[tilespmem:s0+$0x10] =	vst v4  }
0xa4: {  	v4 =	vld.idx.msk [tilespmem:v7+s23+$0x0], $0xffff  }
0xa5: {  	v5 =	vld.idx.msk [tilespmem:v7+s25+$0x0], $0xffff  }
0xa6: {  	v6 =	vld.idx.msk [tilespmem:v7+s24+$0x0], $0xffff;
	_ =	sdelay $0x3  }
0xa7: {  	v7 =	vshll.u32 v7, $0x7;
	v8 =	vadd.s32 v0, v4  }
0xa8: {  	v10 =	vadd.s32 v0, v5;
	v17 =	vadd.s32 v0, v6;
	v9 =	vand.u32 $0xFFFFFF80, v8  }
0xa9: {  	v8 =	vand.u32 $0x7F, v8;
	v11 =	vand.u32 $0xFFFFFF80, v10;
	v9 =	vadd.s32 v7, v9  }
0xaa: {  	v10 =	vand.u32 $0x7F, v10;
	v11 =	vadd.s32 v7, v11;
	v8 =	vor.u32 v8, v9  }
0xab: {  	v12 =	vand.u32 $0xFFFFFF80, v17;
	v10 =	vor.u32 v10, v11  }
0xac: {  	v18 =	vadd.s32 v7, v12;
	v9 =	vand.u32 $0x7F, v17  }
0xad: {  	v9 =	vor.u32 v9, v18;
	_ =	sdelay $0x1  }
0xae: {  	v8 =	vld.idx.msk [tilespmem:v8+s17+$0x0], $0xffff  }
0xaf: {  	v10 =	vld.idx.msk [tilespmem:v10+s19+$0x0], $0xffff;
	_ =	sdelay $0x1  }
0xb0: {  	v19 =	vadd.s32 v1, v4;
	v13 =	vadd.s32 v1, v5;
	v9 =	vld.idx.msk [tilespmem:v9+s18+$0x0], $0xffff  }
0xb1: {  	v15 =	vadd.s32 v1, v6;
	v20 =	vand.u32 $0xFFFFFF80, v19;
	v14 =	vand.u32 $0xFFFFFF80, v13  }
0xb2: {  	v13 =	vand.u32 $0x7F, v13;
	v12 =	vadd.s32 v7, v20;
	v11 =	vand.u32 $0x7F, v19  }
0xb3: {  	v14 =	vadd.s32 v7, v14;
	v21 =	vor.u32 v11, v12;
	v8 =	vadd.f32 v10, v8  }
0xb4: {  	v22 =	vand.u32 $0xFFFFFF80, v15;
	v23 =	vor.u32 v13, v14  }
0xb5: {  	v24 =	vand.u32 $0x7F, v15;
	v11 =	vadd.s32 v7, v22;
	v8 =	vsub.f32 v8, v9  }
0xb6: {  	s2 =	sadd.s32 $0x80, s31;
	v9 =	vor.u32 v24, v11  }
0xb7: {  	[tilespmem:s2+$0xFFFFFFE0] =	vst v8  }
0xb8: {  	v8 =	vld.idx.msk [tilespmem:v21+s17+$0x0], $0xffff  }
0xb9: {  	v25 =	vld.idx.msk [tilespmem:v23+s19+$0x0], $0xffff;
	_ =	sdelay $0x1  }
0xba: {  	v26 =	vadd.s32 v2, v4;
	v28 =	vadd.s32 v2, v5;
	v9 =	vld.idx.msk [tilespmem:v9+s18+$0x0], $0xffff  }
0xbb: {  	v29 =	vadd.s32 v2, v6;
	v27 =	vand.u32 $0xFFFFFF80, v26;
	v30 =	vand.u32 $0xFFFFFF80, v28  }
0xbc: {  	v31 =	vand.u32 $0x7F, v28;
	v12 =	vadd.s32 v7, v27;
	v11 =	vand.u32 $0x7F, v26  }
0xbd: {  	v11 =	vor.u32 v11, v12;
	v12 =	vadd.s32 v7, v30;
	v8 =	vadd.f32 v25, v8  }
0xbe: {  	v32 =	vand.u32 $0xFFFFFF80, v29;
	v10 =	vor.u32 v31, v12  }
0xbf: {  	v34 =	vand.u32 $0x7F, v29;
	v33 =	vadd.s32 v7, v32;
	v8 =	vsub.f32 v8, v9  }
0xc0: {  	v9 =	vor.u32 v34, v33  }
0xc1: {  	[tilespmem:s2+$0xFFFFFFF0] =	vst v8  }
0xc2: {  	v8 =	vld.idx.msk [tilespmem:v11+s17+$0x0], $0xffff  }
0xc3: {  	v10 =	vld.idx.msk [tilespmem:v10+s19+$0x0], $0xffff;
	_ =	sdelay $0x1  }
0xc4: {  	v4 =	vadd.s32 v3, v4;
	v5 =	vadd.s32 v3, v5;
	v9 =	vld.idx.msk [tilespmem:v9+s18+$0x0], $0xffff  }
0xc5: {  	v6 =	vadd.s32 v3, v6;
	v35 =	vand.u32 $0xFFFFFF80, v4;
	v36 =	vand.u32 $0xFFFFFF80, v5  }
0xc6: {  	v4 =	vand.u32 $0x7F, v4;
	v5 =	vand.u32 $0x7F, v5;
	v11 =	vadd.s32 v7, v35  }
0xc7: {  	v12 =	vadd.s32 v7, v36;
	v4 =	vor.u32 v4, v11;
	v8 =	vadd.f32 v10, v8  }
0xc8: {  	v37 =	vand.u32 $0xFFFFFF80, v6;
	v5 =	vor.u32 v5, v12  }
0xc9: {  	v6 =	vand.u32 $0x7F, v6;
	v7 =	vadd.s32 v7, v37;
	v8 =	vsub.f32 v8, v9  }
0xca: {  	v6 =	vor.u32 v6, v7  }
0xcb: {  	[tilespmem:s2+$0x0] =	vst v8  }
0xcc: {  	v4 =	vld.idx.msk [tilespmem:v4+s17+$0x0], $0xffff  }
0xcd: {  	v5 =	vld.idx.msk [tilespmem:v5+s19+$0x0], $0xffff;
	_ =	sdelay $0x1  }
0xce: {  	v6 =	vld.idx.msk [tilespmem:v6+s18+$0x0], $0xffff;
	_ =	sdelay $0x2  }
0xcf: {  	v4 =	vadd.f32 v5, v4;
	_ =	sdelay $0x1  }
0xd0: {  	v4 =	vsub.f32 v4, v6;
	_ =	sdelay $0x1  }
0xd1: {  	s14 =	simm.s32 $0x0;
	[tilespmem:s2+$0x10] =	vst v4  }
0xd2: {  	[hbm4b:s8+s14] =	stream.linear.scatter [tilespmem:s26], [sflag:$0x4], $0x4000, $0x38;
	[tilespmem:$0x10C00] =	vst v63  }
0xd3: {  	_ =	swait.ge [sflag:s13], $0x4000  }
0xd4: {  	[sflag:s13] =	ssyncset.done $0x0  }
0xd5: {  	[sflag:s13] =	ssyncadd.s32 $0xFFFFC000  }
0xd6: {  	[tilespmem:s17], [sflag:$0x1] =	stream.indirect.gather [hbm4b:s4+s16], $0x80, s16, s16, $0xb8;
	[tilespmem:$0x10C00] =	vst v63  }
0xd7: {  	s2 =	simm.s32 $0x280  }
0xd8: {  	[tilespmem:s18], [sflag:$0x2] =	stream.indirect.gather [hbm4b:s4+s16], $0x80, s2, s16, $0xb8;
	[tilespmem:$0x10C00] =	vst v63  }
0xd9: {  	s14 =	simm.s32 $0x480  }
0xda: {  	[tilespmem:s19], [sflag:$0x3] =	stream.indirect.gather [hbm4b:s1+s16], $0x80, s14, s16, $0xb8;
	[tilespmem:$0x10C00] =	vst v63  }
0xdb: {  	_ =	swait.ge [sflag:s20], $0x4000  }
0xdc: {  	[sflag:s20] =	ssyncset.done $0x0  }
0xdd: {  	[sflag:s20] =	ssyncadd.s32 $0xFFFFC000  }
0xde: {  	s2 =	simm.s32 $0x80;
	_ =	swait.ge [sflag:s21], $0x4000  }
0xdf: {  	v4 =	vmov s2;
	[sflag:s21] =	ssyncset.done $0x0  }
0xe0: {  	[sflag:s21] =	ssyncadd.s32 $0xFFFFC000  }
0xe1: {  	_ =	swait.ge [sflag:s22], $0x4000  }
0xe2: {  	[sflag:s22] =	ssyncset.done $0x0  }
0xe3: {  	[sflag:s22] =	ssyncadd.s32 $0xFFFFC000  }
0xe4: {  	v5 =	vld.idx.msk [tilespmem:v4+s23+$0x0], $0xffff  }
0xe5: {  	v6 =	vld.idx.msk [tilespmem:v4+s25+$0x0], $0xffff;
	_ =	sdelay $0x1  }
0xe6: {  	v4 =	vld.idx.msk [tilespmem:v4+s24+$0x0], $0xffff;
	_ =	sdelay $0x1  }
0xe7: {  	v7 =	vadd.s32 v0, v5  }
0xe8: {  	s14 =	simm.s32 $0x0;
	v38 =	vadd.s32 v0, v6;
	v8 =	vand.u32 $0xFFFFFF80, v7;
	v7 =	vand.u32 $0x7F, v7  }
0xe9: {  	v39 =	vand.u32 $0xFFFFFF80, v38;
	v9 =	vand.u32 $0x7F, v38;
	v8 =	vadd.s32 s14, v8  }
0xea: {  	v10 =	vadd.s32 s14, v39;
	v7 =	vor.u32 v7, v8;
	v8 =	vadd.s32 v0, v4  }
0xeb: {  	v9 =	vor.u32 v9, v10;
	v40 =	vand.u32 $0xFFFFFF80, v8  }
0xec: {  	v8 =	vand.u32 $0x7F, v8;
	v41 =	vadd.s32 s14, v40  }
0xed: {  	v8 =	vor.u32 v8, v41;
	_ =	sdelay $0x1  }
0xee: {  	v7 =	vld.idx.msk [tilespmem:v7+s17+$0x0], $0xffff  }
0xef: {  	v9 =	vld.idx.msk [tilespmem:v9+s19+$0x0], $0xffff;
	_ =	sdelay $0x1  }
0xf0: {  	v42 =	vadd.s32 v1, v5;
	v44 =	vadd.s32 v1, v6;
	v8 =	vld.idx.msk [tilespmem:v8+s18+$0x0], $0xffff  }
0xf1: {  	v46 =	vadd.s32 v1, v4;
	v43 =	vand.u32 $0xFFFFFF80, v42;
	v45 =	vand.u32 $0xFFFFFF80, v44  }
0xf2: {  	v12 =	vand.u32 $0x7F, v44;
	v11 =	vadd.s32 s14, v43;
	v10 =	vand.u32 $0x7F, v42  }
0xf3: {  	v13 =	vadd.s32 s14, v45;
	v47 =	vor.u32 v10, v11;
	v7 =	vadd.f32 v9, v7  }
0xf4: {  	v48 =	vand.u32 $0xFFFFFF80, v46;
	v49 =	vor.u32 v12, v13  }
0xf5: {  	v10 =	vadd.s32 s14, v48;
	v7 =	vsub.f32 v7, v8;
	v8 =	vand.u32 $0x7F, v46  }
0xf6: {  	s31 =	simm.s32 $0xCC20;
	v8 =	vor.u32 v8, v10  }
0xf7: {  	[tilespmem:s31+$0xFFFFFFE0] =	vst v7  }
0xf8: {  	v7 =	vld.idx.msk [tilespmem:v47+s17+$0x0], $0xffff  }
0xf9: {  	v50 =	vld.idx.msk [tilespmem:v49+s19+$0x0], $0xffff;
	_ =	sdelay $0x1  }
0xfa: {  	v51 =	vadd.s32 v2, v5;
	v53 =	vadd.s32 v2, v6;
	v8 =	vld.idx.msk [tilespmem:v8+s18+$0x0], $0xffff  }
0xfb: {  	v55 =	vadd.s32 v2, v4;
	v52 =	vand.u32 $0xFFFFFF80, v51;
	v54 =	vand.u32 $0xFFFFFF80, v53  }
0xfc: {  	v57 =	vand.u32 $0x7F, v53;
	v11 =	vadd.s32 s14, v52;
	v10 =	vand.u32 $0x7F, v51  }
0xfd: {  	v13 =	vadd.s32 s14, v54;
	v56 =	vor.u32 v10, v11;
	v7 =	vadd.f32 v50, v7  }
0xfe: {  	v58 =	vand.u32 $0xFFFFFF80, v55;
	v10 =	vor.u32 v57, v13  }
0xff: {  	v11 =	vadd.s32 s14, v58;
	v7 =	vsub.f32 v7, v8;
	v8 =	vand.u32 $0x7F, v55  }
0x100: {  	v8 =	vor.u32 v8, v11  }
0x101: {  	[tilespmem:s31+$0xFFFFFFF0] =	vst v7  }
0x102: {  	v7 =	vld.idx.msk [tilespmem:v56+s17+$0x0], $0xffff  }
0x103: {  	v59 =	vld.idx.msk [tilespmem:v10+s19+$0x0], $0xffff;
	_ =	sdelay $0x1  }
0x104: {  	v5 =	vadd.s32 v3, v5;
	v6 =	vadd.s32 v3, v6;
	v8 =	vld.idx.msk [tilespmem:v8+s18+$0x0], $0xffff  }
0x105: {  	v61 =	vand.u32 $0xFFFFFF80, v5;
	v62 =	vand.u32 $0xFFFFFF80, v6;
	v5 =	vand.u32 $0x7F, v5  }
0x106: {  	v6 =	vand.u32 $0x7F, v6;
	v4 =	vadd.s32 v3, v4;
	v11 =	vadd.s32 s14, v61  }
0x107: {  	v12 =	vadd.s32 s14, v62;
	v5 =	vor.u32 v5, v11;
	v7 =	vadd.f32 v59, v7  }
0x108: {  	v60 =	vand.u32 $0xFFFFFF80, v4;
	v6 =	vor.u32 v6, v12  }
0x109: {  	v4 =	vand.u32 $0x7F, v4;
	v63 =	vadd.s32 s14, v60;
	v7 =	vsub.f32 v7, v8  }
0x10a: {  	v8 =	vor.u32 v4, v63  }
0x10b: {  	[tilespmem:s31+$0x0] =	vst v7  }
0x10c: {  	v4 =	vld.idx.msk [tilespmem:v5+s17+$0x0], $0xffff  }
0x10d: {  	v5 =	vld.idx.msk [tilespmem:v6+s19+$0x0], $0xffff  }
0x10e: {  	s28 =	simm.s32 $0x2  }
0x10f: {  	s29 =	simm.s32 $0x81;
	s0 =	simm.s32 $0x1;
	s2 =	simm.s32 $0xCC20;
	v6 =	vld.idx.msk [tilespmem:v8+s18+$0x0], $0xffff  }
.LBB2_6:
0x110: {  	p0 =	sne.s32 s28, $0x7F  }
0x111: {  	v7 =	vmov s29;
	s31 =	sadd.s32 $0x80, s31;
	s14 =	smov.u32 s28;
	s28 =	sadd.s32 $0x1, s28  }
0x112: {  	v4 =	vadd.f32 v5, v4;
	_ =	sdelay $0x1  }
0x113: {  	v4 =	vsub.f32 v4, v6;
	_ =	sdelay $0x1  }
0x114: {  	[tilespmem:s2+$0x10] =	vst v4;
	s2 =	smov.u32 s31  }
0x115: {  	v4 =	vld.idx.msk [tilespmem:v7+s23+$0x0], $0xffff  }
0x116: {  	v5 =	vld.idx.msk [tilespmem:v7+s25+$0x0], $0xffff;
	_ =	sdelay $0x1  }
0x117: {  	v6 =	vld.idx.msk [tilespmem:v7+s24+$0x0], $0xffff;
	_ =	sdelay $0x2  }
0x118: {  	v7 =	vadd.s32 v0, v4;
	v8 =	vadd.s32 v1, v4;
	v9 =	vadd.s32 v2, v4  }
0x119: {  	s29 =	sshll.u32 s0, $0x7;
	s0 =	smov.u32 s14;
	v10 =	vand.u32 $0xFFFFFF80, v7;
	v7 =	vand.u32 $0x7F, v7;
	v11 =	vadd.s32 v0, v5  }
0x11a: {  	v10 =	vadd.s32 s29, v10;
	v12 =	vand.u32 $0xFFFFFF80, v11;
	v11 =	vand.u32 $0x7F, v11  }
0x11b: {  	v7 =	vor.u32 v7, v10;
	v10 =	vadd.s32 v0, v6;
	v12 =	vadd.s32 s29, v12  }
0x11c: {  	v13 =	vand.u32 $0xFFFFFF80, v10;
	v11 =	vor.u32 v11, v12;
	v12 =	vand.u32 $0xFFFFFF80, v8  }
0x11d: {  	v14 =	vadd.s32 v1, v5;
	v10 =	vand.u32 $0x7F, v10;
	v13 =	vadd.s32 s29, v13  }
0x11e: {  	v12 =	vadd.s32 s29, v12;
	v10 =	vor.u32 v10, v13;
	v13 =	vand.u32 $0xFFFFFF80, v14  }
0x11f: {  	v15 =	vadd.s32 v1, v6;
	v14 =	vand.u32 $0x7F, v14;
	v13 =	vadd.s32 s29, v13  }
0x120: {  	v16 =	vand.u32 $0xFFFFFF80, v15;
	v13 =	vor.u32 v14, v13;
	v14 =	vand.u32 $0xFFFFFF80, v9;
	v7 =	vld.idx.msk [tilespmem:v7+s17+$0x0], $0xffff  }
0x121: {  	v17 =	vadd.s32 v2, v5;
	v16 =	vadd.s32 s29, v16;
	v14 =	vadd.s32 s29, v14;
	v11 =	vld.idx.msk [tilespmem:v11+s19+$0x0], $0xffff  }
0x122: {  	v19 =	vand.u32 $0xFFFFFF80, v17;
	v18 =	vadd.s32 v2, v6;
	v6 =	vadd.s32 v3, v6  }
0x123: {  	v19 =	vadd.s32 s29, v19;
	v20 =	vand.u32 $0xFFFFFF80, v18;
	v21 =	vand.u32 $0xFFFFFF80, v6;
	v10 =	vld.idx.msk [tilespmem:v10+s18+$0x0], $0xffff  }
0x124: {  	v4 =	vadd.s32 v3, v4;
	v20 =	vadd.s32 s29, v20;
	v21 =	vadd.s32 s29, v21  }
0x125: {  	v22 =	vand.u32 $0xFFFFFF80, v4;
	v5 =	vadd.s32 v3, v5  }
0x126: {  	v23 =	vand.u32 $0xFFFFFF80, v5;
	v8 =	vand.u32 $0x7F, v8  }
0x127: {  	v8 =	vor.u32 v8, v12;
	v7 =	vadd.f32 v11, v7;
	v11 =	vadd.s32 s29, v23;
	_ =	sdelay $0x1  }
0x128: {  	v7 =	vsub.f32 v7, v10;
	v10 =	vand.u32 $0x7F, v15  }
0x129: {  	v10 =	vor.u32 v10, v16  }
0x12a: {  	[tilespmem:s31+$0xFFFFFFE0] =	vst v7  }
0x12b: {  	v7 =	vld.idx.msk [tilespmem:v8+s17+$0x0], $0xffff  }
0x12c: {  	v8 =	vld.idx.msk [tilespmem:v13+s19+$0x0], $0xffff;
	_ =	sdelay $0x1  }
0x12d: {  	v10 =	vld.idx.msk [tilespmem:v10+s18+$0x0], $0xffff;
	_ =	sdelay $0x2  }
0x12e: {  	v9 =	vand.u32 $0x7F, v9  }
0x12f: {  	v7 =	vadd.f32 v8, v7;
	v8 =	vor.u32 v9, v14;
	v9 =	vand.u32 $0x7F, v17  }
0x130: {  	v9 =	vor.u32 v9, v19  }
0x131: {  	v7 =	vsub.f32 v7, v10;
	v10 =	vand.u32 $0x7F, v18  }
0x132: {  	v10 =	vor.u32 v10, v20  }
0x133: {  	[tilespmem:s31+$0xFFFFFFF0] =	vst v7  }
0x134: {  	v7 =	vld.idx.msk [tilespmem:v8+s17+$0x0], $0xffff  }
0x135: {  	v8 =	vld.idx.msk [tilespmem:v9+s19+$0x0], $0xffff;
	_ =	sdelay $0x1  }
0x136: {  	v9 =	vld.idx.msk [tilespmem:v10+s18+$0x0], $0xffff;
	_ =	sdelay $0x2  }
0x137: {  	v4 =	vand.u32 $0x7F, v4;
	v10 =	vadd.s32 s29, v22  }
0x138: {  	v5 =	vand.u32 $0x7F, v5;
	v4 =	vor.u32 v4, v10;
	v7 =	vadd.f32 v8, v7  }
0x139: {  	v6 =	vand.u32 $0x7F, v6;
	v5 =	vor.u32 v5, v11  }
0x13a: {  	v6 =	vor.u32 v6, v21;
	v7 =	vsub.f32 v7, v9;
	_ =	sdelay $0x1  }
0x13b: {  	[tilespmem:s31+$0x0] =	vst v7  }
0x13c: {  	v4 =	vld.idx.msk [tilespmem:v4+s17+$0x0], $0xffff  }
.Ltmp2:
0x13d: {  	v5 =	vld.idx.msk [tilespmem:v5+s19+$0x0], $0xffff;
	(pc) =	sbr.rel @p0 .LBB2_6-.Ltmp2, $2  }
0x13e: {  	v6 =	vld.idx.msk [tilespmem:v6+s18+$0x0], $0xffff;
	_ =	sdelay $0x2  }
0x13f: {  	s29 =	sadd.s32 $0x80, s0  }
0x140: {  	v7 =	vmov s29;
	v4 =	vadd.f32 v5, v4;
	_ =	sdelay $0x1  }
0x141: {  	v4 =	vsub.f32 v4, v6;
	_ =	sdelay $0x1  }
0x142: {  	[tilespmem:s2+$0x10] =	vst v4  }
0x143: {  	v4 =	vld.idx.msk [tilespmem:v7+s23+$0x0], $0xffff  }
0x144: {  	v5 =	vld.idx.msk [tilespmem:v7+s25+$0x0], $0xffff;
	_ =	sdelay $0x1  }
0x145: {  	v6 =	vld.idx.msk [tilespmem:v7+s24+$0x0], $0xffff;
	_ =	sdelay $0x1  }
0x146: {  	v7 =	vadd.s32 v0, v4  }
0x147: {  	s0 =	sshll.u32 s0, $0x7;
	v9 =	vadd.s32 v0, v5;
	v8 =	vand.u32 $0xFFFFFF80, v7;
	v7 =	vand.u32 $0x7F, v7  }
0x148: {  	v10 =	vand.u32 $0xFFFFFF80, v9;
	v9 =	vand.u32 $0x7F, v9;
	v8 =	vadd.s32 s0, v8  }
0x149: {  	v10 =	vadd.s32 s0, v10;
	v7 =	vor.u32 v7, v8;
	v8 =	vadd.s32 v0, v6  }
0x14a: {  	v9 =	vor.u32 v9, v10;
	v11 =	vand.u32 $0xFFFFFF80, v8  }
0x14b: {  	v8 =	vand.u32 $0x7F, v8;
	v19 =	vadd.s32 s0, v11  }
0x14c: {  	v8 =	vor.u32 v8, v19;
	_ =	sdelay $0x1  }
0x14d: {  	v7 =	vld.idx.msk [tilespmem:v7+s17+$0x0], $0xffff  }
0x14e: {  	v9 =	vld.idx.msk [tilespmem:v9+s19+$0x0], $0xffff;
	_ =	sdelay $0x1  }
0x14f: {  	v20 =	vadd.s32 v1, v4;
	v12 =	vadd.s32 v1, v5;
	v8 =	vld.idx.msk [tilespmem:v8+s18+$0x0], $0xffff  }
0x150: {  	v14 =	vadd.s32 v1, v6;
	v21 =	vand.u32 $0xFFFFFF80, v20;
	v13 =	vand.u32 $0xFFFFFF80, v12  }
0x151: {  	v12 =	vand.u32 $0x7F, v12;
	v10 =	vand.u32 $0x7F, v20;
	v11 =	vadd.s32 s0, v21  }
0x152: {  	v13 =	vadd.s32 s0, v13;
	v22 =	vor.u32 v10, v11;
	v7 =	vadd.f32 v9, v7  }
0x153: {  	v23 =	vand.u32 $0xFFFFFF80, v14;
	v24 =	vor.u32 v12, v13  }
0x154: {  	v10 =	vadd.s32 s0, v23;
	v7 =	vsub.f32 v7, v8;
	v8 =	vand.u32 $0x7F, v14  }
0x155: {  	s14 =	sadd.s32 $0x80, s31;
	v8 =	vor.u32 v8, v10  }
0x156: {  	[tilespmem:s14+$0xFFFFFFE0] =	vst v7  }
0x157: {  	v7 =	vld.idx.msk [tilespmem:v22+s17+$0x0], $0xffff  }
0x158: {  	v25 =	vld.idx.msk [tilespmem:v24+s19+$0x0], $0xffff;
	_ =	sdelay $0x1  }
0x159: {  	v26 =	vadd.s32 v2, v4;
	v28 =	vadd.s32 v2, v5;
	v8 =	vld.idx.msk [tilespmem:v8+s18+$0x0], $0xffff  }
0x15a: {  	v30 =	vadd.s32 v2, v6;
	v27 =	vand.u32 $0xFFFFFF80, v26;
	v29 =	vand.u32 $0xFFFFFF80, v28  }
0x15b: {  	v32 =	vand.u32 $0x7F, v28;
	v11 =	vadd.s32 s0, v27;
	v10 =	vand.u32 $0x7F, v26  }
0x15c: {  	v13 =	vadd.s32 s0, v29;
	v31 =	vor.u32 v10, v11;
	v7 =	vadd.f32 v25, v7  }
0x15d: {  	v33 =	vand.u32 $0xFFFFFF80, v30;
	v10 =	vor.u32 v32, v13  }
0x15e: {  	v11 =	vadd.s32 s0, v33;
	v7 =	vsub.f32 v7, v8;
	v8 =	vand.u32 $0x7F, v30  }
0x15f: {  	v8 =	vor.u32 v8, v11  }
0x160: {  	[tilespmem:s14+$0xFFFFFFF0] =	vst v7  }
0x161: {  	v7 =	vld.idx.msk [tilespmem:v31+s17+$0x0], $0xffff  }
0x162: {  	v34 =	vld.idx.msk [tilespmem:v10+s19+$0x0], $0xffff;
	_ =	sdelay $0x1  }
0x163: {  	v4 =	vadd.s32 v3, v4;
	v5 =	vadd.s32 v3, v5;
	v8 =	vld.idx.msk [tilespmem:v8+s18+$0x0], $0xffff  }
0x164: {  	v35 =	vand.u32 $0xFFFFFF80, v4;
	v36 =	vand.u32 $0xFFFFFF80, v5;
	v4 =	vand.u32 $0x7F, v4  }
0x165: {  	v5 =	vand.u32 $0x7F, v5;
	v6 =	vadd.s32 v3, v6;
	v10 =	vadd.s32 s0, v35  }
0x166: {  	v11 =	vadd.s32 s0, v36;
	v4 =	vor.u32 v4, v10;
	v7 =	vadd.f32 v34, v7  }
0x167: {  	v37 =	vand.u32 $0xFFFFFF80, v6;
	v5 =	vor.u32 v5, v11  }
0x168: {  	v6 =	vand.u32 $0x7F, v6;
	v9 =	vadd.s32 s0, v37;
	v7 =	vsub.f32 v7, v8  }
0x169: {  	v6 =	vor.u32 v6, v9  }
0x16a: {  	[tilespmem:s14+$0x0] =	vst v7  }
0x16b: {  	v4 =	vld.idx.msk [tilespmem:v4+s17+$0x0], $0xffff  }
0x16c: {  	v5 =	vld.idx.msk [tilespmem:v5+s19+$0x0], $0xffff;
	_ =	sdelay $0x1  }
0x16d: {  	v6 =	vld.idx.msk [tilespmem:v6+s18+$0x0], $0xffff;
	_ =	sdelay $0x2  }
0x16e: {  	v4 =	vadd.f32 v5, v4;
	_ =	sdelay $0x1  }
0x16f: {  	v4 =	vsub.f32 v4, v6;
	_ =	sdelay $0x1  }
0x170: {  	s2 =	simm.s32 $0x0;
	[tilespmem:s14+$0x10] =	vst v4  }
0x171: {  	[hbm4b:s9+s2] =	stream.linear.scatter [tilespmem:s26], [sflag:$0x4], $0x4000, $0x38;
	[tilespmem:$0x10C00] =	vst v63  }
0x172: {  	_ =	swait.ge [sflag:s13], $0x4000  }
0x173: {  	[sflag:s13] =	ssyncset.done $0x0  }
0x174: {  	s14 =	simm.s32 $0x100;
	[sflag:s13] =	ssyncadd.s32 $0xFFFFC000  }
0x175: {  	[tilespmem:s17], [sflag:$0x1] =	stream.indirect.gather [hbm4b:s4+s16], $0x80, s14, s16, $0xb8;
	[tilespmem:$0x10C00] =	vst v63  }
0x176: {  	s2 =	simm.s32 $0x300  }
0x177: {  	[tilespmem:s18], [sflag:$0x2] =	stream.indirect.gather [hbm4b:s4+s16], $0x80, s2, s16, $0xb8;
	[tilespmem:$0x10C00] =	vst v63  }
0x178: {  	s14 =	simm.s32 $0x500  }
0x179: {  	[tilespmem:s19], [sflag:$0x3] =	stream.indirect.gather [hbm4b:s1+s16], $0x80, s14, s16, $0xb8;
	[tilespmem:$0x10C00] =	vst v63  }
0x17a: {  	_ =	swait.ge [sflag:s20], $0x4000  }
0x17b: {  	[sflag:s20] =	ssyncset.done $0x0  }
0x17c: {  	[sflag:s20] =	ssyncadd.s32 $0xFFFFC000  }
0x17d: {  	s2 =	simm.s32 $0x100;
	_ =	swait.ge [sflag:s21], $0x4000  }
0x17e: {  	v4 =	vmov s2;
	[sflag:s21] =	ssyncset.done $0x0  }
0x17f: {  	[sflag:s21] =	ssyncadd.s32 $0xFFFFC000  }
0x180: {  	_ =	swait.ge [sflag:s22], $0x4000  }
0x181: {  	[sflag:s22] =	ssyncset.done $0x0  }
0x182: {  	[sflag:s22] =	ssyncadd.s32 $0xFFFFC000  }
0x183: {  	v5 =	vld.idx.msk [tilespmem:v4+s23+$0x0], $0xffff  }
0x184: {  	v6 =	vld.idx.msk [tilespmem:v4+s25+$0x0], $0xffff;
	_ =	sdelay $0x1  }
0x185: {  	v4 =	vld.idx.msk [tilespmem:v4+s24+$0x0], $0xffff;
	_ =	sdelay $0x1  }
0x186: {  	v7 =	vadd.s32 v0, v5  }
0x187: {  	s14 =	simm.s32 $0x0;
	v38 =	vadd.s32 v0, v6;
	v8 =	vand.u32 $0xFFFFFF80, v7;
	v7 =	vand.u32 $0x7F, v7  }
0x188: {  	v39 =	vand.u32 $0xFFFFFF80, v38;
	v9 =	vand.u32 $0x7F, v38;
	v8 =	vadd.s32 s14, v8  }
0x189: {  	v10 =	vadd.s32 s14, v39;
	v7 =	vor.u32 v7, v8;
	v8 =	vadd.s32 v0, v4  }
0x18a: {  	v9 =	vor.u32 v9, v10;
	v40 =	vand.u32 $0xFFFFFF80, v8  }
0x18b: {  	v8 =	vand.u32 $0x7F, v8;
	v41 =	vadd.s32 s14, v40  }
0x18c: {  	v8 =	vor.u32 v8, v41;
	_ =	sdelay $0x1  }
0x18d: {  	v7 =	vld.idx.msk [tilespmem:v7+s17+$0x0], $0xffff  }
0x18e: {  	v9 =	vld.idx.msk [tilespmem:v9+s19+$0x0], $0xffff;
	_ =	sdelay $0x1  }
0x18f: {  	v42 =	vadd.s32 v1, v5;
	v44 =	vadd.s32 v1, v6;
	v8 =	vld.idx.msk [tilespmem:v8+s18+$0x0], $0xffff  }
0x190: {  	v46 =	vadd.s32 v1, v4;
	v43 =	vand.u32 $0xFFFFFF80, v42;
	v45 =	vand.u32 $0xFFFFFF80, v44  }
0x191: {  	v12 =	vand.u32 $0x7F, v44;
	v11 =	vadd.s32 s14, v43;
	v10 =	vand.u32 $0x7F, v42  }
0x192: {  	v13 =	vadd.s32 s14, v45;
	v47 =	vor.u32 v10, v11;
	v7 =	vadd.f32 v9, v7  }
0x193: {  	v48 =	vand.u32 $0xFFFFFF80, v46;
	v49 =	vor.u32 v12, v13  }
0x194: {  	v10 =	vadd.s32 s14, v48;
	v7 =	vsub.f32 v7, v8;
	v8 =	vand.u32 $0x7F, v46  }
0x195: {  	s31 =	simm.s32 $0xCC20;
	v8 =	vor.u32 v8, v10  }
0x196: {  	[tilespmem:s31+$0xFFFFFFE0] =	vst v7  }
0x197: {  	v7 =	vld.idx.msk [tilespmem:v47+s17+$0x0], $0xffff  }
0x198: {  	v50 =	vld.idx.msk [tilespmem:v49+s19+$0x0], $0xffff;
	_ =	sdelay $0x1  }
0x199: {  	v51 =	vadd.s32 v2, v5;
	v53 =	vadd.s32 v2, v6;
	v8 =	vld.idx.msk [tilespmem:v8+s18+$0x0], $0xffff  }
0x19a: {  	v55 =	vadd.s32 v2, v4;
	v52 =	vand.u32 $0xFFFFFF80, v51;
	v54 =	vand.u32 $0xFFFFFF80, v53  }
0x19b: {  	v57 =	vand.u32 $0x7F, v53;
	v11 =	vadd.s32 s14, v52;
	v10 =	vand.u32 $0x7F, v51  }
0x19c: {  	v13 =	vadd.s32 s14, v54;
	v56 =	vor.u32 v10, v11;
	v7 =	vadd.f32 v50, v7  }
0x19d: {  	v58 =	vand.u32 $0xFFFFFF80, v55;
	v10 =	vor.u32 v57, v13  }
0x19e: {  	v11 =	vadd.s32 s14, v58;
	v7 =	vsub.f32 v7, v8;
	v8 =	vand.u32 $0x7F, v55  }
0x19f: {  	v8 =	vor.u32 v8, v11  }
0x1a0: {  	[tilespmem:s31+$0xFFFFFFF0] =	vst v7  }
0x1a1: {  	v7 =	vld.idx.msk [tilespmem:v56+s17+$0x0], $0xffff  }
0x1a2: {  	v59 =	vld.idx.msk [tilespmem:v10+s19+$0x0], $0xffff;
	_ =	sdelay $0x1  }
0x1a3: {  	v5 =	vadd.s32 v3, v5;
	v6 =	vadd.s32 v3, v6;
	v8 =	vld.idx.msk [tilespmem:v8+s18+$0x0], $0xffff  }
0x1a4: {  	v61 =	vand.u32 $0xFFFFFF80, v5;
	v62 =	vand.u32 $0xFFFFFF80, v6;
	v5 =	vand.u32 $0x7F, v5  }
0x1a5: {  	v6 =	vand.u32 $0x7F, v6;
	v4 =	vadd.s32 v3, v4;
	v11 =	vadd.s32 s14, v61  }
0x1a6: {  	v12 =	vadd.s32 s14, v62;
	v5 =	vor.u32 v5, v11;
	v7 =	vadd.f32 v59, v7  }
0x1a7: {  	v60 =	vand.u32 $0xFFFFFF80, v4;
	v6 =	vor.u32 v6, v12  }
0x1a8: {  	v4 =	vand.u32 $0x7F, v4;
	v63 =	vadd.s32 s14, v60;
	v7 =	vsub.f32 v7, v8  }
0x1a9: {  	v8 =	vor.u32 v4, v63  }
0x1aa: {  	[tilespmem:s31+$0x0] =	vst v7  }
0x1ab: {  	v4 =	vld.idx.msk [tilespmem:v5+s17+$0x0], $0xffff  }
0x1ac: {  	v5 =	vld.idx.msk [tilespmem:v6+s19+$0x0], $0xffff  }
0x1ad: {  	s28 =	simm.s32 $0x2  }
0x1ae: {  	s29 =	simm.s32 $0x101;
	s0 =	simm.s32 $0x1;
	s2 =	simm.s32 $0xCC20;
	v6 =	vld.idx.msk [tilespmem:v8+s18+$0x0], $0xffff  }
.LBB2_8:
0x1af: {  	p0 =	sne.s32 s28, $0x7F  }
0x1b0: {  	v7 =	vmov s29;
	s31 =	sadd.s32 $0x80, s31;
	s14 =	smov.u32 s28;
	s28 =	sadd.s32 $0x1, s28  }
0x1b1: {  	v4 =	vadd.f32 v5, v4;
	_ =	sdelay $0x1  }
0x1b2: {  	v4 =	vsub.f32 v4, v6;
	_ =	sdelay $0x1  }
0x1b3: {  	[tilespmem:s2+$0x10] =	vst v4;
	s2 =	smov.u32 s31  }
0x1b4: {  	v4 =	vld.idx.msk [tilespmem:v7+s23+$0x0], $0xffff  }
0x1b5: {  	v5 =	vld.idx.msk [tilespmem:v7+s25+$0x0], $0xffff;
	_ =	sdelay $0x1  }
0x1b6: {  	v6 =	vld.idx.msk [tilespmem:v7+s24+$0x0], $0xffff;
	_ =	sdelay $0x2  }
0x1b7: {  	v7 =	vadd.s32 v0, v4;
	v8 =	vadd.s32 v1, v4;
	v9 =	vadd.s32 v2, v4  }
0x1b8: {  	s29 =	sshll.u32 s0, $0x7;
	s0 =	smov.u32 s14;
	v10 =	vand.u32 $0xFFFFFF80, v7;
	v7 =	vand.u32 $0x7F, v7;
	v11 =	vadd.s32 v0, v5  }
0x1b9: {  	v10 =	vadd.s32 s29, v10;
	v12 =	vand.u32 $0xFFFFFF80, v11;
	v11 =	vand.u32 $0x7F, v11  }
0x1ba: {  	v7 =	vor.u32 v7, v10;
	v10 =	vadd.s32 v0, v6;
	v12 =	vadd.s32 s29, v12  }
0x1bb: {  	v13 =	vand.u32 $0xFFFFFF80, v10;
	v11 =	vor.u32 v11, v12;
	v12 =	vand.u32 $0xFFFFFF80, v8  }
0x1bc: {  	v14 =	vadd.s32 v1, v5;
	v10 =	vand.u32 $0x7F, v10;
	v13 =	vadd.s32 s29, v13  }
0x1bd: {  	v12 =	vadd.s32 s29, v12;
	v10 =	vor.u32 v10, v13;
	v13 =	vand.u32 $0xFFFFFF80, v14  }
0x1be: {  	v15 =	vadd.s32 v1, v6;
	v14 =	vand.u32 $0x7F, v14;
	v13 =	vadd.s32 s29, v13  }
0x1bf: {  	v16 =	vand.u32 $0xFFFFFF80, v15;
	v13 =	vor.u32 v14, v13;
	v14 =	vand.u32 $0xFFFFFF80, v9;
	v7 =	vld.idx.msk [tilespmem:v7+s17+$0x0], $0xffff  }
0x1c0: {  	v17 =	vadd.s32 v2, v5;
	v16 =	vadd.s32 s29, v16;
	v14 =	vadd.s32 s29, v14;
	v11 =	vld.idx.msk [tilespmem:v11+s19+$0x0], $0xffff  }
0x1c1: {  	v19 =	vand.u32 $0xFFFFFF80, v17;
	v18 =	vadd.s32 v2, v6;
	v6 =	vadd.s32 v3, v6  }
0x1c2: {  	v19 =	vadd.s32 s29, v19;
	v20 =	vand.u32 $0xFFFFFF80, v18;
	v21 =	vand.u32 $0xFFFFFF80, v6;
	v10 =	vld.idx.msk [tilespmem:v10+s18+$0x0], $0xffff  }
0x1c3: {  	v4 =	vadd.s32 v3, v4;
	v20 =	vadd.s32 s29, v20;
	v21 =	vadd.s32 s29, v21  }
0x1c4: {  	v22 =	vand.u32 $0xFFFFFF80, v4;
	v5 =	vadd.s32 v3, v5  }
0x1c5: {  	v23 =	vand.u32 $0xFFFFFF80, v5;
	v8 =	vand.u32 $0x7F, v8  }
0x1c6: {  	v8 =	vor.u32 v8, v12;
	v7 =	vadd.f32 v11, v7;
	v11 =	vadd.s32 s29, v23;
	_ =	sdelay $0x1  }
0x1c7: {  	v7 =	vsub.f32 v7, v10;
	v10 =	vand.u32 $0x7F, v15  }
0x1c8: {  	v10 =	vor.u32 v10, v16  }
0x1c9: {  	[tilespmem:s31+$0xFFFFFFE0] =	vst v7  }
0x1ca: {  	v7 =	vld.idx.msk [tilespmem:v8+s17+$0x0], $0xffff  }
0x1cb: {  	v8 =	vld.idx.msk [tilespmem:v13+s19+$0x0], $0xffff;
	_ =	sdelay $0x1  }
0x1cc: {  	v10 =	vld.idx.msk [tilespmem:v10+s18+$0x0], $0xffff;
	_ =	sdelay $0x2  }
0x1cd: {  	v9 =	vand.u32 $0x7F, v9  }
0x1ce: {  	v7 =	vadd.f32 v8, v7;
	v8 =	vor.u32 v9, v14;
	v9 =	vand.u32 $0x7F, v17  }
0x1cf: {  	v9 =	vor.u32 v9, v19  }
0x1d0: {  	v7 =	vsub.f32 v7, v10;
	v10 =	vand.u32 $0x7F, v18  }
0x1d1: {  	v10 =	vor.u32 v10, v20  }
0x1d2: {  	[tilespmem:s31+$0xFFFFFFF0] =	vst v7  }
0x1d3: {  	v7 =	vld.idx.msk [tilespmem:v8+s17+$0x0], $0xffff  }
0x1d4: {  	v8 =	vld.idx.msk [tilespmem:v9+s19+$0x0], $0xffff;
	_ =	sdelay $0x1  }
0x1d5: {  	v9 =	vld.idx.msk [tilespmem:v10+s18+$0x0], $0xffff;
	_ =	sdelay $0x2  }
0x1d6: {  	v4 =	vand.u32 $0x7F, v4;
	v10 =	vadd.s32 s29, v22  }
0x1d7: {  	v5 =	vand.u32 $0x7F, v5;
	v4 =	vor.u32 v4, v10;
	v7 =	vadd.f32 v8, v7  }
0x1d8: {  	v6 =	vand.u32 $0x7F, v6;
	v5 =	vor.u32 v5, v11  }
0x1d9: {  	v6 =	vor.u32 v6, v21;
	v7 =	vsub.f32 v7, v9;
	_ =	sdelay $0x1  }
0x1da: {  	[tilespmem:s31+$0x0] =	vst v7  }
0x1db: {  	v4 =	vld.idx.msk [tilespmem:v4+s17+$0x0], $0xffff  }
.Ltmp3:
0x1dc: {  	v5 =	vld.idx.msk [tilespmem:v5+s19+$0x0], $0xffff;
	(pc) =	sbr.rel @p0 .LBB2_8-.Ltmp3, $2  }
0x1dd: {  	v6 =	vld.idx.msk [tilespmem:v6+s18+$0x0], $0xffff;
	_ =	sdelay $0x2  }
0x1de: {  	s29 =	sadd.s32 $0x100, s0  }
0x1df: {  	v7 =	vmov s29;
	v4 =	vadd.f32 v5, v4;
	_ =	sdelay $0x1  }
0x1e0: {  	v4 =	vsub.f32 v4, v6;
	_ =	sdelay $0x1  }
0x1e1: {  	[tilespmem:s2+$0x10] =	vst v4  }
0x1e2: {  	v4 =	vld.idx.msk [tilespmem:v7+s23+$0x0], $0xffff  }
0x1e3: {  	v5 =	vld.idx.msk [tilespmem:v7+s25+$0x0], $0xffff;
	_ =	sdelay $0x1  }
0x1e4: {  	v6 =	vld.idx.msk [tilespmem:v7+s24+$0x0], $0xffff;
	_ =	sdelay $0x1  }
0x1e5: {  	v7 =	vadd.s32 v0, v4  }
0x1e6: {  	s0 =	sshll.u32 s0, $0x7;
	v9 =	vadd.s32 v0, v5;
	v8 =	vand.u32 $0xFFFFFF80, v7;
	v7 =	vand.u32 $0x7F, v7  }
0x1e7: {  	v10 =	vand.u32 $0xFFFFFF80, v9;
	v9 =	vand.u32 $0x7F, v9;
	v8 =	vadd.s32 s0, v8  }
0x1e8: {  	v10 =	vadd.s32 s0, v10;
	v7 =	vor.u32 v7, v8;
	v8 =	vadd.s32 v0, v6  }
0x1e9: {  	v9 =	vor.u32 v9, v10;
	v11 =	vand.u32 $0xFFFFFF80, v8  }
0x1ea: {  	v8 =	vand.u32 $0x7F, v8;
	v19 =	vadd.s32 s0, v11  }
0x1eb: {  	v8 =	vor.u32 v8, v19;
	_ =	sdelay $0x1  }
0x1ec: {  	v7 =	vld.idx.msk [tilespmem:v7+s17+$0x0], $0xffff  }
0x1ed: {  	v9 =	vld.idx.msk [tilespmem:v9+s19+$0x0], $0xffff;
	_ =	sdelay $0x1  }
0x1ee: {  	v20 =	vadd.s32 v1, v4;
	v12 =	vadd.s32 v1, v5;
	v8 =	vld.idx.msk [tilespmem:v8+s18+$0x0], $0xffff  }
0x1ef: {  	v14 =	vadd.s32 v1, v6;
	v21 =	vand.u32 $0xFFFFFF80, v20;
	v13 =	vand.u32 $0xFFFFFF80, v12  }
0x1f0: {  	v12 =	vand.u32 $0x7F, v12;
	v10 =	vand.u32 $0x7F, v20;
	v11 =	vadd.s32 s0, v21  }
0x1f1: {  	v13 =	vadd.s32 s0, v13;
	v22 =	vor.u32 v10, v11;
	v7 =	vadd.f32 v9, v7  }
0x1f2: {  	v23 =	vand.u32 $0xFFFFFF80, v14;
	v24 =	vor.u32 v12, v13  }
0x1f3: {  	v10 =	vadd.s32 s0, v23;
	v7 =	vsub.f32 v7, v8;
	v8 =	vand.u32 $0x7F, v14  }
0x1f4: {  	s14 =	sadd.s32 $0x80, s31;
	v8 =	vor.u32 v8, v10  }
0x1f5: {  	[tilespmem:s14+$0xFFFFFFE0] =	vst v7  }
0x1f6: {  	v7 =	vld.idx.msk [tilespmem:v22+s17+$0x0], $0xffff  }
0x1f7: {  	v25 =	vld.idx.msk [tilespmem:v24+s19+$0x0], $0xffff;
	_ =	sdelay $0x1  }
0x1f8: {  	v26 =	vadd.s32 v2, v4;
	v28 =	vadd.s32 v2, v5;
	v8 =	vld.idx.msk [tilespmem:v8+s18+$0x0], $0xffff  }
0x1f9: {  	v30 =	vadd.s32 v2, v6;
	v27 =	vand.u32 $0xFFFFFF80, v26;
	v29 =	vand.u32 $0xFFFFFF80, v28  }
0x1fa: {  	v32 =	vand.u32 $0x7F, v28;
	v11 =	vadd.s32 s0, v27;
	v10 =	vand.u32 $0x7F, v26  }
0x1fb: {  	v13 =	vadd.s32 s0, v29;
	v31 =	vor.u32 v10, v11;
	v7 =	vadd.f32 v25, v7  }
0x1fc: {  	v33 =	vand.u32 $0xFFFFFF80, v30;
	v10 =	vor.u32 v32, v13  }
0x1fd: {  	v11 =	vadd.s32 s0, v33;
	v7 =	vsub.f32 v7, v8;
	v8 =	vand.u32 $0x7F, v30  }
0x1fe: {  	v8 =	vor.u32 v8, v11  }
0x1ff: {  	[tilespmem:s14+$0xFFFFFFF0] =	vst v7  }
0x200: {  	v7 =	vld.idx.msk [tilespmem:v31+s17+$0x0], $0xffff  }
0x201: {  	v34 =	vld.idx.msk [tilespmem:v10+s19+$0x0], $0xffff;
	_ =	sdelay $0x1  }
0x202: {  	v4 =	vadd.s32 v3, v4;
	v5 =	vadd.s32 v3, v5;
	v8 =	vld.idx.msk [tilespmem:v8+s18+$0x0], $0xffff  }
0x203: {  	v35 =	vand.u32 $0xFFFFFF80, v4;
	v36 =	vand.u32 $0xFFFFFF80, v5;
	v4 =	vand.u32 $0x7F, v4  }
0x204: {  	v5 =	vand.u32 $0x7F, v5;
	v6 =	vadd.s32 v3, v6;
	v10 =	vadd.s32 s0, v35  }
0x205: {  	v11 =	vadd.s32 s0, v36;
	v4 =	vor.u32 v4, v10;
	v7 =	vadd.f32 v34, v7  }
0x206: {  	v37 =	vand.u32 $0xFFFFFF80, v6;
	v5 =	vor.u32 v5, v11  }
0x207: {  	v6 =	vand.u32 $0x7F, v6;
	v9 =	vadd.s32 s0, v37;
	v7 =	vsub.f32 v7, v8  }
0x208: {  	v6 =	vor.u32 v6, v9  }
0x209: {  	[tilespmem:s14+$0x0] =	vst v7  }
0x20a: {  	v4 =	vld.idx.msk [tilespmem:v4+s17+$0x0], $0xffff  }
0x20b: {  	v5 =	vld.idx.msk [tilespmem:v5+s19+$0x0], $0xffff;
	_ =	sdelay $0x1  }
0x20c: {  	v6 =	vld.idx.msk [tilespmem:v6+s18+$0x0], $0xffff;
	_ =	sdelay $0x2  }
0x20d: {  	v4 =	vadd.f32 v5, v4;
	_ =	sdelay $0x1  }
0x20e: {  	v4 =	vsub.f32 v4, v6;
	_ =	sdelay $0x1  }
0x20f: {  	s2 =	simm.s32 $0x0;
	[tilespmem:s14+$0x10] =	vst v4  }
0x210: {  	[hbm4b:s10+s2] =	stream.linear.scatter [tilespmem:s26], [sflag:$0x4], $0x4000, $0x38;
	[tilespmem:$0x10C00] =	vst v63  }
0x211: {  	_ =	swait.ge [sflag:s13], $0x4000  }
0x212: {  	[sflag:s13] =	ssyncset.done $0x0  }
0x213: {  	s14 =	simm.s32 $0x180;
	[sflag:s13] =	ssyncadd.s32 $0xFFFFC000  }
0x214: {  	[tilespmem:s17], [sflag:$0x1] =	stream.indirect.gather [hbm4b:s4+s16], $0x80, s14, s16, $0xb8;
	[tilespmem:$0x10C00] =	vst v63  }
0x215: {  	s2 =	simm.s32 $0x380  }
0x216: {  	[tilespmem:s18], [sflag:$0x2] =	stream.indirect.gather [hbm4b:s4+s16], $0x80, s2, s16, $0xb8;
	[tilespmem:$0x10C00] =	vst v63  }
0x217: {  	s14 =	simm.s32 $0x580  }
0x218: {  	[tilespmem:s19], [sflag:$0x3] =	stream.indirect.gather [hbm4b:s1+s16], $0x80, s14, s16, $0xb8;
	[tilespmem:$0x10C00] =	vst v63  }
0x219: {  	_ =	swait.ge [sflag:s20], $0x4000  }
0x21a: {  	[sflag:s20] =	ssyncset.done $0x0  }
0x21b: {  	[sflag:s20] =	ssyncadd.s32 $0xFFFFC000  }
0x21c: {  	s2 =	simm.s32 $0x180;
	_ =	swait.ge [sflag:s21], $0x4000  }
0x21d: {  	v4 =	vmov s2;
	[sflag:s21] =	ssyncset.done $0x0  }
0x21e: {  	[sflag:s21] =	ssyncadd.s32 $0xFFFFC000  }
0x21f: {  	_ =	swait.ge [sflag:s22], $0x4000  }
0x220: {  	[sflag:s22] =	ssyncset.done $0x0  }
0x221: {  	[sflag:s22] =	ssyncadd.s32 $0xFFFFC000  }
0x222: {  	v5 =	vld.idx.msk [tilespmem:v4+s23+$0x0], $0xffff  }
0x223: {  	v6 =	vld.idx.msk [tilespmem:v4+s25+$0x0], $0xffff;
	_ =	sdelay $0x1  }
0x224: {  	v4 =	vld.idx.msk [tilespmem:v4+s24+$0x0], $0xffff;
	_ =	sdelay $0x1  }
0x225: {  	v7 =	vadd.s32 v0, v5  }
0x226: {  	s14 =	simm.s32 $0x0;
	v38 =	vadd.s32 v0, v6;
	v8 =	vand.u32 $0xFFFFFF80, v7;
	v7 =	vand.u32 $0x7F, v7  }
0x227: {  	v39 =	vand.u32 $0xFFFFFF80, v38;
	v9 =	vand.u32 $0x7F, v38;
	v8 =	vadd.s32 s14, v8  }
0x228: {  	v10 =	vadd.s32 s14, v39;
	v7 =	vor.u32 v7, v8;
	v8 =	vadd.s32 v0, v4  }
0x229: {  	v9 =	vor.u32 v9, v10;
	v40 =	vand.u32 $0xFFFFFF80, v8  }
0x22a: {  	v8 =	vand.u32 $0x7F, v8;
	v41 =	vadd.s32 s14, v40  }
0x22b: {  	v8 =	vor.u32 v8, v41;
	_ =	sdelay $0x1  }
0x22c: {  	v7 =	vld.idx.msk [tilespmem:v7+s17+$0x0], $0xffff  }
0x22d: {  	v9 =	vld.idx.msk [tilespmem:v9+s19+$0x0], $0xffff;
	_ =	sdelay $0x1  }
0x22e: {  	v42 =	vadd.s32 v1, v5;
	v44 =	vadd.s32 v1, v6;
	v8 =	vld.idx.msk [tilespmem:v8+s18+$0x0], $0xffff  }
0x22f: {  	v46 =	vadd.s32 v1, v4;
	v43 =	vand.u32 $0xFFFFFF80, v42;
	v45 =	vand.u32 $0xFFFFFF80, v44  }
0x230: {  	v12 =	vand.u32 $0x7F, v44;
	v11 =	vadd.s32 s14, v43;
	v10 =	vand.u32 $0x7F, v42  }
0x231: {  	v13 =	vadd.s32 s14, v45;
	v47 =	vor.u32 v10, v11;
	v7 =	vadd.f32 v9, v7  }
0x232: {  	v48 =	vand.u32 $0xFFFFFF80, v46;
	v49 =	vor.u32 v12, v13  }
0x233: {  	v10 =	vadd.s32 s14, v48;
	v7 =	vsub.f32 v7, v8;
	v8 =	vand.u32 $0x7F, v46  }
0x234: {  	s31 =	simm.s32 $0xCC20;
	v8 =	vor.u32 v8, v10  }
0x235: {  	[tilespmem:s31+$0xFFFFFFE0] =	vst v7  }
0x236: {  	v7 =	vld.idx.msk [tilespmem:v47+s17+$0x0], $0xffff  }
0x237: {  	v50 =	vld.idx.msk [tilespmem:v49+s19+$0x0], $0xffff;
	_ =	sdelay $0x1  }
0x238: {  	v51 =	vadd.s32 v2, v5;
	v53 =	vadd.s32 v2, v6;
	v8 =	vld.idx.msk [tilespmem:v8+s18+$0x0], $0xffff  }
0x239: {  	v55 =	vadd.s32 v2, v4;
	v52 =	vand.u32 $0xFFFFFF80, v51;
	v54 =	vand.u32 $0xFFFFFF80, v53  }
0x23a: {  	v57 =	vand.u32 $0x7F, v53;
	v11 =	vadd.s32 s14, v52;
	v10 =	vand.u32 $0x7F, v51  }
0x23b: {  	v13 =	vadd.s32 s14, v54;
	v56 =	vor.u32 v10, v11;
	v7 =	vadd.f32 v50, v7  }
0x23c: {  	v58 =	vand.u32 $0xFFFFFF80, v55;
	v10 =	vor.u32 v57, v13  }
0x23d: {  	v11 =	vadd.s32 s14, v58;
	v7 =	vsub.f32 v7, v8;
	v8 =	vand.u32 $0x7F, v55  }
0x23e: {  	v8 =	vor.u32 v8, v11  }
0x23f: {  	[tilespmem:s31+$0xFFFFFFF0] =	vst v7  }
0x240: {  	v7 =	vld.idx.msk [tilespmem:v56+s17+$0x0], $0xffff  }
0x241: {  	v59 =	vld.idx.msk [tilespmem:v10+s19+$0x0], $0xffff;
	_ =	sdelay $0x1  }
0x242: {  	v5 =	vadd.s32 v3, v5;
	v6 =	vadd.s32 v3, v6;
	v8 =	vld.idx.msk [tilespmem:v8+s18+$0x0], $0xffff  }
0x243: {  	v61 =	vand.u32 $0xFFFFFF80, v5;
	v62 =	vand.u32 $0xFFFFFF80, v6;
	v5 =	vand.u32 $0x7F, v5  }
0x244: {  	v6 =	vand.u32 $0x7F, v6;
	v4 =	vadd.s32 v3, v4;
	v11 =	vadd.s32 s14, v61  }
0x245: {  	v12 =	vadd.s32 s14, v62;
	v5 =	vor.u32 v5, v11;
	v7 =	vadd.f32 v59, v7  }
0x246: {  	v60 =	vand.u32 $0xFFFFFF80, v4;
	v6 =	vor.u32 v6, v12  }
0x247: {  	v4 =	vand.u32 $0x7F, v4;
	v63 =	vadd.s32 s14, v60;
	v7 =	vsub.f32 v7, v8  }
0x248: {  	v8 =	vor.u32 v4, v63  }
0x249: {  	[tilespmem:s31+$0x0] =	vst v7  }
0x24a: {  	v4 =	vld.idx.msk [tilespmem:v5+s17+$0x0], $0xffff  }
0x24b: {  	v5 =	vld.idx.msk [tilespmem:v6+s19+$0x0], $0xffff  }
0x24c: {  	s28 =	simm.s32 $0x2  }
0x24d: {  	s29 =	simm.s32 $0x181;
	s0 =	simm.s32 $0x1;
	s2 =	simm.s32 $0xCC20;
	v6 =	vld.idx.msk [tilespmem:v8+s18+$0x0], $0xffff  }
.LBB2_10:
0x24e: {  	p0 =	sne.s32 s28, $0x7F  }
0x24f: {  	v7 =	vmov s29;
	s31 =	sadd.s32 $0x80, s31;
	s14 =	smov.u32 s28;
	s28 =	sadd.s32 $0x1, s28  }
0x250: {  	v4 =	vadd.f32 v5, v4;
	_ =	sdelay $0x1  }
0x251: {  	v4 =	vsub.f32 v4, v6;
	_ =	sdelay $0x1  }
0x252: {  	[tilespmem:s2+$0x10] =	vst v4;
	s2 =	smov.u32 s31  }
0x253: {  	v4 =	vld.idx.msk [tilespmem:v7+s23+$0x0], $0xffff  }
0x254: {  	v5 =	vld.idx.msk [tilespmem:v7+s25+$0x0], $0xffff;
	_ =	sdelay $0x1  }
0x255: {  	v6 =	vld.idx.msk [tilespmem:v7+s24+$0x0], $0xffff;
	_ =	sdelay $0x2  }
0x256: {  	v7 =	vadd.s32 v0, v4;
	v8 =	vadd.s32 v1, v4;
	v9 =	vadd.s32 v2, v4  }
0x257: {  	s29 =	sshll.u32 s0, $0x7;
	s0 =	smov.u32 s14;
	v10 =	vand.u32 $0xFFFFFF80, v7;
	v7 =	vand.u32 $0x7F, v7;
	v11 =	vadd.s32 v0, v5  }
0x258: {  	v10 =	vadd.s32 s29, v10;
	v12 =	vand.u32 $0xFFFFFF80, v11;
	v11 =	vand.u32 $0x7F, v11  }
0x259: {  	v7 =	vor.u32 v7, v10;
	v10 =	vadd.s32 v0, v6;
	v12 =	vadd.s32 s29, v12  }
0x25a: {  	v13 =	vand.u32 $0xFFFFFF80, v10;
	v11 =	vor.u32 v11, v12;
	v12 =	vand.u32 $0xFFFFFF80, v8  }
0x25b: {  	v14 =	vadd.s32 v1, v5;
	v10 =	vand.u32 $0x7F, v10;
	v13 =	vadd.s32 s29, v13  }
0x25c: {  	v12 =	vadd.s32 s29, v12;
	v10 =	vor.u32 v10, v13;
	v13 =	vand.u32 $0xFFFFFF80, v14  }
0x25d: {  	v15 =	vadd.s32 v1, v6;
	v14 =	vand.u32 $0x7F, v14;
	v13 =	vadd.s32 s29, v13  }
0x25e: {  	v16 =	vand.u32 $0xFFFFFF80, v15;
	v13 =	vor.u32 v14, v13;
	v14 =	vand.u32 $0xFFFFFF80, v9;
	v7 =	vld.idx.msk [tilespmem:v7+s17+$0x0], $0xffff  }
0x25f: {  	v17 =	vadd.s32 v2, v5;
	v16 =	vadd.s32 s29, v16;
	v14 =	vadd.s32 s29, v14;
	v11 =	vld.idx.msk [tilespmem:v11+s19+$0x0], $0xffff  }
0x260: {  	v19 =	vand.u32 $0xFFFFFF80, v17;
	v18 =	vadd.s32 v2, v6;
	v6 =	vadd.s32 v3, v6  }
0x261: {  	v19 =	vadd.s32 s29, v19;
	v20 =	vand.u32 $0xFFFFFF80, v18;
	v21 =	vand.u32 $0xFFFFFF80, v6;
	v10 =	vld.idx.msk [tilespmem:v10+s18+$0x0], $0xffff  }
0x262: {  	v4 =	vadd.s32 v3, v4;
	v20 =	vadd.s32 s29, v20;
	v21 =	vadd.s32 s29, v21  }
0x263: {  	v22 =	vand.u32 $0xFFFFFF80, v4;
	v5 =	vadd.s32 v3, v5  }
0x264: {  	v23 =	vand.u32 $0xFFFFFF80, v5;
	v8 =	vand.u32 $0x7F, v8  }
0x265: {  	v8 =	vor.u32 v8, v12;
	v7 =	vadd.f32 v11, v7;
	v11 =	vadd.s32 s29, v23;
	_ =	sdelay $0x1  }
0x266: {  	v7 =	vsub.f32 v7, v10;
	v10 =	vand.u32 $0x7F, v15  }
0x267: {  	v10 =	vor.u32 v10, v16  }
0x268: {  	[tilespmem:s31+$0xFFFFFFE0] =	vst v7  }
0x269: {  	v7 =	vld.idx.msk [tilespmem:v8+s17+$0x0], $0xffff  }
0x26a: {  	v8 =	vld.idx.msk [tilespmem:v13+s19+$0x0], $0xffff;
	_ =	sdelay $0x1  }
0x26b: {  	v10 =	vld.idx.msk [tilespmem:v10+s18+$0x0], $0xffff;
	_ =	sdelay $0x2  }
0x26c: {  	v9 =	vand.u32 $0x7F, v9  }
0x26d: {  	v7 =	vadd.f32 v8, v7;
	v8 =	vor.u32 v9, v14;
	v9 =	vand.u32 $0x7F, v17  }
0x26e: {  	v9 =	vor.u32 v9, v19  }
0x26f: {  	v7 =	vsub.f32 v7, v10;
	v10 =	vand.u32 $0x7F, v18  }
0x270: {  	v10 =	vor.u32 v10, v20  }
0x271: {  	[tilespmem:s31+$0xFFFFFFF0] =	vst v7  }
0x272: {  	v7 =	vld.idx.msk [tilespmem:v8+s17+$0x0], $0xffff  }
0x273: {  	v8 =	vld.idx.msk [tilespmem:v9+s19+$0x0], $0xffff;
	_ =	sdelay $0x1  }
0x274: {  	v9 =	vld.idx.msk [tilespmem:v10+s18+$0x0], $0xffff;
	_ =	sdelay $0x2  }
0x275: {  	v4 =	vand.u32 $0x7F, v4;
	v10 =	vadd.s32 s29, v22  }
0x276: {  	v5 =	vand.u32 $0x7F, v5;
	v4 =	vor.u32 v4, v10;
	v7 =	vadd.f32 v8, v7  }
0x277: {  	v6 =	vand.u32 $0x7F, v6;
	v5 =	vor.u32 v5, v11  }
0x278: {  	v6 =	vor.u32 v6, v21;
	v7 =	vsub.f32 v7, v9;
	_ =	sdelay $0x1  }
0x279: {  	[tilespmem:s31+$0x0] =	vst v7  }
0x27a: {  	v4 =	vld.idx.msk [tilespmem:v4+s17+$0x0], $0xffff  }
.Ltmp4:
0x27b: {  	v5 =	vld.idx.msk [tilespmem:v5+s19+$0x0], $0xffff;
	(pc) =	sbr.rel @p0 .LBB2_10-.Ltmp4, $2  }
0x27c: {  	v6 =	vld.idx.msk [tilespmem:v6+s18+$0x0], $0xffff;
	_ =	sdelay $0x2  }
0x27d: {  	s29 =	sadd.s32 $0x180, s0  }
0x27e: {  	v7 =	vmov s29;
	v4 =	vadd.f32 v5, v4;
	_ =	sdelay $0x1  }
0x27f: {  	v4 =	vsub.f32 v4, v6;
	_ =	sdelay $0x1  }
0x280: {  	[tilespmem:s2+$0x10] =	vst v4  }
0x281: {  	v4 =	vld.idx.msk [tilespmem:v7+s23+$0x0], $0xffff  }
0x282: {  	v5 =	vld.idx.msk [tilespmem:v7+s25+$0x0], $0xffff  }
0x283: {  	v40 =	vld.idx.msk [tilespmem:v7+s24+$0x0], $0xffff;
	_ =	sdelay $0x3  }
0x284: {  	v41 =	vadd.s32 v0, v4  }
0x285: {  	s0 =	sshll.u32 s0, $0x7;
	v9 =	vadd.s32 v0, v5;
	v42 =	vadd.s32 v0, v40;
	v8 =	vand.u32 $0xFFFFFF80, v41  }
0x286: {  	v7 =	vand.u32 $0x7F, v41;
	v10 =	vand.u32 $0xFFFFFF80, v9;
	v8 =	vadd.s32 s0, v8  }
0x287: {  	v9 =	vand.u32 $0x7F, v9;
	v10 =	vadd.s32 s0, v10;
	v7 =	vor.u32 v7, v8  }
0x288: {  	v11 =	vand.u32 $0xFFFFFF80, v42;
	v9 =	vor.u32 v9, v10  }
0x289: {  	v43 =	vadd.s32 s0, v11;
	v8 =	vand.u32 $0x7F, v42  }
0x28a: {  	v8 =	vor.u32 v8, v43;
	_ =	sdelay $0x1  }
0x28b: {  	v7 =	vld.idx.msk [tilespmem:v7+s17+$0x0], $0xffff  }
0x28c: {  	v9 =	vld.idx.msk [tilespmem:v9+s19+$0x0], $0xffff;
	_ =	sdelay $0x1  }
0x28d: {  	v44 =	vadd.s32 v1, v4;
	v12 =	vadd.s32 v1, v5;
	v8 =	vld.idx.msk [tilespmem:v8+s18+$0x0], $0xffff  }
0x28e: {  	v14 =	vadd.s32 v1, v40;
	v45 =	vand.u32 $0xFFFFFF80, v44;
	v13 =	vand.u32 $0xFFFFFF80, v12  }
0x28f: {  	v12 =	vand.u32 $0x7F, v12;
	v11 =	vadd.s32 s0, v45;
	v10 =	vand.u32 $0x7F, v44  }
0x290: {  	v13 =	vadd.s32 s0, v13;
	v46 =	vor.u32 v10, v11;
	v7 =	vadd.f32 v9, v7  }
0x291: {  	v47 =	vand.u32 $0xFFFFFF80, v14;
	v48 =	vor.u32 v12, v13  }
0x292: {  	v49 =	vand.u32 $0x7F, v14;
	v10 =	vadd.s32 s0, v47;
	v7 =	vsub.f32 v7, v8  }
0x293: {  	s31 =	sadd.s32 $0x80, s31;
	v8 =	vor.u32 v49, v10  }
0x294: {  	[tilespmem:s31+$0xFFFFFFE0] =	vst v7  }
0x295: {  	v7 =	vld.idx.msk [tilespmem:v46+s17+$0x0], $0xffff  }
0x296: {  	v50 =	vld.idx.msk [tilespmem:v48+s19+$0x0], $0xffff;
	_ =	sdelay $0x1  }
0x297: {  	v51 =	vadd.s32 v2, v4;
	v53 =	vadd.s32 v2, v5;
	v8 =	vld.idx.msk [tilespmem:v8+s18+$0x0], $0xffff  }
0x298: {  	v55 =	vadd.s32 v2, v40;
	v52 =	vand.u32 $0xFFFFFF80, v51;
	v54 =	vand.u32 $0xFFFFFF80, v53  }
0x299: {  	v57 =	vand.u32 $0x7F, v53;
	v11 =	vadd.s32 s0, v52;
	v10 =	vand.u32 $0x7F, v51  }
0x29a: {  	v13 =	vadd.s32 s0, v54;
	v56 =	vor.u32 v10, v11;
	v7 =	vadd.f32 v50, v7  }
0x29b: {  	v58 =	vand.u32 $0xFFFFFF80, v55;
	v10 =	vor.u32 v57, v13  }
0x29c: {  	v59 =	vand.u32 $0x7F, v55;
	v11 =	vadd.s32 s0, v58;
	v7 =	vsub.f32 v7, v8  }
0x29d: {  	v8 =	vor.u32 v59, v11  }
0x29e: {  	[tilespmem:s31+$0xFFFFFFF0] =	vst v7  }
0x29f: {  	v7 =	vld.idx.msk [tilespmem:v56+s17+$0x0], $0xffff  }
0x2a0: {  	v60 =	vld.idx.msk [tilespmem:v10+s19+$0x0], $0xffff;
	_ =	sdelay $0x1  }
0x2a1: {  	v4 =	vadd.s32 v3, v4;
	v5 =	vadd.s32 v3, v5;
	v8 =	vld.idx.msk [tilespmem:v8+s18+$0x0], $0xffff  }
0x2a2: {  	v6 =	vadd.s32 v3, v40;
	v61 =	vand.u32 $0xFFFFFF80, v4;
	v62 =	vand.u32 $0xFFFFFF80, v5  }
0x2a3: {  	v4 =	vand.u32 $0x7F, v4;
	v5 =	vand.u32 $0x7F, v5;
	v10 =	vadd.s32 s0, v61  }
0x2a4: {  	v11 =	vadd.s32 s0, v62;
	v4 =	vor.u32 v4, v10;
	v7 =	vadd.f32 v60, v7  }
0x2a5: {  	v63 =	vand.u32 $0xFFFFFF80, v6;
	v5 =	vor.u32 v5, v11  }
0x2a6: {  	v6 =	vand.u32 $0x7F, v6;
	v9 =	vadd.s32 s0, v63;
	v7 =	vsub.f32 v7, v8  }
0x2a7: {  	v6 =	vor.u32 v6, v9  }
0x2a8: {  	[tilespmem:s31+$0x0] =	vst v7  }
0x2a9: {  	v4 =	vld.idx.msk [tilespmem:v4+s17+$0x0], $0xffff  }
0x2aa: {  	v5 =	vld.idx.msk [tilespmem:v5+s19+$0x0], $0xffff;
	_ =	sdelay $0x1  }
0x2ab: {  	v6 =	vld.idx.msk [tilespmem:v6+s18+$0x0], $0xffff;
	_ =	sdelay $0x2  }
0x2ac: {  	v4 =	vadd.f32 v5, v4;
	_ =	sdelay $0x1  }
0x2ad: {  	s30 =	sadd.s32 $0x1, s30;
	v4 =	vsub.f32 v4, v6  }
0x2ae: {  	p0 =	sne.s32 s30, s12  }
.Ltmp5:
0x2af: {  	[tilespmem:s31+$0x10] =	vst v4;
	(pc) =	sbr.rel @p0 .LBB2_1-.Ltmp5, $4  }
0x2b0: {  	[hbm4b:s11+s3] =	stream.linear.scatter [tilespmem:s26], [sflag:$0x4], $0x4000, $0x38;
	[tilespmem:$0x10C00] =	vst v63  }
0x2b1: {  	_ =	swait.ge [sflag:s13], $0x4000  }
0x2b2: {  	[sflag:s13] =	ssyncset.done $0x0  }
0x2b3: {  	s14 =	simm.s32 $0x200;
	[sflag:s13] =	ssyncadd.s32 $0xFFFFC000  }
0x2b4: {  	_ =	sfence.sel $0x180000  }
0x2b5: {  	[bflag:$0x0] =	sbarrier.arrive $0xFFFF  }
0x2b6: {  	_ =	strace $0x90000047  }
0x2b7: {  	s0 =	stileid.u32;
	[bflag:$0x2] =	sbarrier.arrive $0xFFFF  }
0x2b8: {  	p0 =	sne.s32 s0, $0x0;
	s0 =	rddreg [dreg:$0x5]  }
0x2b9: {  	s0 =	sadd.s32 @!p0 $0x100000, s0  }
0x2ba: {  	[sflag:s0] =	ssyncadd.tile.s32 @!p0 $0x1;
	_ =	shalt  }
.Lfunc_end2:
_tile_overlayer_lowered:
.L_overlay_start_2:
0x2bb: {  	(tag) =	ssettag $0x2  }
0x2bc: {  	s0 =	rddreg [dreg:$0x0];
	s2 =	stileid.u32  }
0x2bd: {  	s1 =	rddreg [dreg:$0x1];
	p0 =	sne.s32 s2, $0x0  }
0x2be: {  	s3 =	rddreg [dreg:$0x2];
	[bflag:$0x3] =	sbarrier.arrive $0xFFFF;
	s2 =	simm.s32 @!p0 $0x1C04  }
0x2bf: {  	[timem:s3], [sflag:s2] =	dma.local @!p0 [hbm:s0], s1  }
0x2c0: {  	s0 =	simm.s32 @!p0 $0x4  }
0x2c1: {  	_ =	swait.ge @!p0 [sflag:s0], s1  }
0x2c2: {  	s1 =	ssub.s32 @!p0 $0x0, s1;
	[sflag:s0] =	ssyncset.done @!p0 $0x0  }
0x2c3: {  	[sflag:s0] =	ssyncadd.s32 @!p0 s1  }
0x2c4: {  	[bflag:$0x3] =	sbarrier.arrive $0xFFFF  }
0x2c5: {  	_ =	shalt  }

</sc_bundles>
